<compile_context>
chip_gen: v7x
topology: tpu7x:2x2x1
jax: 0.10.2.dev20260603
libtpu: 0.0.44.dev20260713+nightly
codegen_flags: <defaults>
</compile_context>

<pallas_src>
import functools

import jax
import jax.numpy as jnp
from jax import lax
from jax.experimental import pallas as pl
from jax.experimental.pallas import tpu as pltpu
from jax.experimental.pallas import tpu_sc as plsc

_TM = 256
_NW = 32
_CH = 64


def _root_body(x_ref, wn_ref, bn_ref, wr_ref, br_ref,
               out_ref, counts_ref, hist_ref):
    i = pl.program_id(0)
    h = jnp.maximum(
        jnp.dot(x_ref[...], wn_ref[...], preferred_element_type=jnp.float32)
        + bn_ref[...],
        0.0,
    )
    logits = (
        jnp.dot(h, wr_ref[...], preferred_element_type=jnp.float32) + br_ref[...]
    )
    out_ref[...] = logits
    e = logits.shape[-1]
    idx = jax.lax.broadcasted_iota(jnp.int32, logits.shape, 1)
    mx = jnp.max(logits, axis=-1, keepdims=True)
    am = jnp.min(jnp.where(logits == mx, idx, e), axis=-1, keepdims=True)
    oh = idx == am

    @pl.when(i == 0)
    def _():
        hist_ref[...] = jnp.zeros_like(hist_ref)

    hist_ref[...] += jnp.sum(oh.astype(jnp.int32), axis=0, keepdims=True)

    @pl.when(i == pl.num_programs(0) - 1)
    def _():
        counts_ref[...] = hist_ref[...]


def _epi_body(logits_ref, cnt_ref, dec_ref, pos_ref,
              carry_ref, starts_ref, tril_ref):
    i = pl.program_id(0)
    logits = logits_ref[...]
    tm, e = logits.shape
    idx = jax.lax.broadcasted_iota(jnp.int32, logits.shape, 1)
    mx = jnp.max(logits, axis=-1, keepdims=True)
    am = jnp.min(jnp.where(logits == mx, idx, e), axis=-1, keepdims=True)
    oh = idx == am

    @pl.when(i == 0)
    def _():
        carry_ref[...] = jnp.zeros_like(carry_ref)
        lane = jax.lax.broadcasted_iota(jnp.int32, (1, e), 1)
        cnt = cnt_ref[...]
        starts = jnp.zeros_like(cnt)
        for j in range(1, e):
            sj = jnp.sum(jnp.where(lane < j, cnt, 0))
            starts = starts + jnp.where(lane == j, sj, 0)
        starts_ref[...] = starts.astype(jnp.float32)
        r = jax.lax.broadcasted_iota(jnp.int32, (tm, tm), 0)
        c = jax.lax.broadcasted_iota(jnp.int32, (tm, tm), 1)
        tril_ref[...] = (r > c).astype(jnp.bfloat16)

    p = jnp.exp(logits - mx)
    dec_ref[...] = p / jnp.sum(p, axis=-1, keepdims=True)
    ohf = oh.astype(jnp.float32)
    strictcum = jnp.dot(tril_ref[...], oh.astype(jnp.bfloat16),
                        preferred_element_type=jnp.float32)
    slot = starts_ref[...] + carry_ref[...] + strictcum
    pos_ref[...] = jnp.sum(ohf * slot, axis=-1, keepdims=True).astype(jnp.int32)
    carry_ref[...] += jnp.sum(ohf, axis=0, keepdims=True)


def _leaf_body(tile_ref, exp_ref, valid_ref, off_ref,
               xs_ref, wn_ref, bn_ref, wd_ref, bd_ref, out_ref):
    i = pl.program_id(0)
    t = tile_ref[i]
    prev_t = tile_ref[jnp.maximum(i - 1, 0)]
    first_visit = jnp.logical_or(i == 0, t != prev_t)

    @pl.when(first_visit)
    def _():
        out_ref[...] = jnp.zeros_like(out_ref)

    e = exp_ref[i]
    start = off_ref[e]
    end = off_ref[e + 1]
    tm = xs_ref.shape[0]
    rows = t * tm + jax.lax.broadcasted_iota(jnp.int32, (tm, 1), 0)
    mask = (rows >= start) & (rows < end) & (valid_ref[i] > 0)

    x = xs_ref[...]
    h = jnp.maximum(
        jnp.dot(x, wn_ref[0], preferred_element_type=jnp.float32) + bn_ref[0],
        0.0,
    )
    logits = jnp.dot(h, wd_ref[0], preferred_element_type=jnp.float32) + bd_ref[0]
    m = jnp.max(logits, axis=-1, keepdims=True)
    p = jnp.exp(logits - m)
    dec = p / jnp.sum(p, axis=-1, keepdims=True)
    tm_, e_ = dec.shape
    pad = jnp.zeros((tm_, 128 - e_), dtype=dec.dtype)
    out_ref[...] += jnp.where(mask, jnp.concatenate([dec, pad], axis=-1), 0.0)


def _sc_scatter(y, pos, chunk):
    n, d = y.shape
    bpw = n // _NW
    nch = bpw // chunk
    mesh = plsc.VectorSubcoreMesh(core_axis_name="c", subcore_axis_name="s")

    @functools.partial(
        pl.kernel,
        out_type=jax.ShapeDtypeStruct((n, d), y.dtype),
        mesh=mesh,
        scratch_types=[
            pltpu.VMEM((chunk,), jnp.int32),
            pltpu.VMEM((chunk, d), y.dtype),
            pltpu.SemaphoreType.DMA,
        ],
    )
    def k(y_hbm, pos_hbm, out_hbm, idx_v, rows_v, sem):
        wid = lax.axis_index("s") * 2 + lax.axis_index("c")
        base = wid * bpw
        for ci in range(nch):
            off = base + ci * chunk
            pltpu.sync_copy(pos_hbm.at[pl.ds(off, chunk)], idx_v)
            pltpu.sync_copy(y_hbm.at[pl.ds(off, chunk)], rows_v)
            pltpu.async_copy(rows_v, out_hbm.at[idx_v], sem).wait()

    return k(y, pos)


def _route(inputs, W_node, b_node, W_router, b_router):
    n, d = inputs.shape
    e = W_router.shape[1]
    nt = n // _TM

    logits, counts2d = pl.pallas_call(
        _root_body,
        grid=(nt,),
        in_specs=[
            pl.BlockSpec((_TM, d), lambda i: (i, 0)),
            pl.BlockSpec((d, d), lambda i: (0, 0)),
            pl.BlockSpec((1, d), lambda i: (0, 0)),
            pl.BlockSpec((d, e), lambda i: (0, 0)),
            pl.BlockSpec((1, e), lambda i: (0, 0)),
        ],
        out_specs=[
            pl.BlockSpec((_TM, e), lambda i: (i, 0)),
            pl.BlockSpec((1, e), lambda i: (0, 0)),
        ],
        out_shape=[
            jax.ShapeDtypeStruct((n, e), jnp.float32),
            jax.ShapeDtypeStruct((1, e), jnp.int32),
        ],
        scratch_shapes=[
            pltpu.VMEM((1, e), jnp.int32),
        ],
        compiler_params=pltpu.CompilerParams(
            dimension_semantics=("arbitrary",),
        ),
    )(inputs, W_node, b_node.reshape(1, d), W_router, b_router.reshape(1, e))

    tme = 1024
    dec_out, pos2d = pl.pallas_call(
        _epi_body,
        grid=(n // tme,),
        in_specs=[
            pl.BlockSpec((tme, e), lambda i: (i, 0)),
            pl.BlockSpec((1, e), lambda i: (0, 0)),
        ],
        out_specs=[
            pl.BlockSpec((tme, e), lambda i: (i, 0)),
            pl.BlockSpec((tme, 1), lambda i: (i, 0)),
        ],
        out_shape=[
            jax.ShapeDtypeStruct((n, e), jnp.float32),
            jax.ShapeDtypeStruct((n, 1), jnp.int32),
        ],
        scratch_shapes=[
            pltpu.VMEM((1, e), jnp.float32),
            pltpu.VMEM((1, e), jnp.float32),
            pltpu.VMEM((tme, tme), jnp.bfloat16),
        ],
        compiler_params=pltpu.CompilerParams(
            dimension_semantics=("arbitrary",),
        ),
    )(logits, counts2d)
    return dec_out, pos2d, counts2d


def kernel(inputs, W_node, b_node, W_router, b_router,
           W_leaf_node, b_leaf_node, W_leaf_dense, b_leaf_dense):
    n, d = inputs.shape
    e = W_router.shape[1]
    nt = n // _TM
    max_items = nt + e - 1

    dec_out, pos2d, counts2d = _route(inputs, W_node, b_node, W_router, b_router)

    pos = pos2d[:, 0]
    counts = counts2d[0]
    offsets = jnp.cumsum(counts)
    starts = offsets - counts

    first_tile = starts // _TM
    last_tile = jnp.where(counts > 0, (offsets - 1) // _TM, first_tile)
    tiles_touched = jnp.where(counts > 0, last_tile - first_tile + 1, 0)
    group_ids = jnp.repeat(jnp.arange(e, dtype=jnp.int32), tiles_touched,
                           total_repeat_length=max_items)
    tiles_before = jnp.cumsum(tiles_touched) - tiles_touched
    item_idx = jnp.arange(max_items, dtype=jnp.int32)
    raw_tile = first_tile[group_ids] + item_idx - tiles_before[group_ids]
    total_items = jnp.sum(tiles_touched)
    valid = (item_idx < total_items).astype(jnp.int32)
    tile_ids = jnp.clip(jnp.where(valid > 0, raw_tile, nt - 1), 0, nt - 1)
    tile_ids = tile_ids.astype(jnp.int32)
    off_full = jnp.concatenate([jnp.zeros((1,), jnp.int32), offsets]).astype(jnp.int32)

    xs = _sc_scatter(inputs, pos, _CH)

    grid_spec = pltpu.PrefetchScalarGridSpec(
        num_scalar_prefetch=4,
        grid=(max_items,),
        in_specs=[
            pl.BlockSpec((_TM, d), lambda i, t, ex, v, o: (t[i], 0)),
            pl.BlockSpec((1, d, d), lambda i, t, ex, v, o: (ex[i], 0, 0)),
            pl.BlockSpec((1, 1, d), lambda i, t, ex, v, o: (ex[i], 0, 0)),
            pl.BlockSpec((1, d, e), lambda i, t, ex, v, o: (ex[i], 0, 0)),
            pl.BlockSpec((1, 1, e), lambda i, t, ex, v, o: (ex[i], 0, 0)),
        ],
        out_specs=pl.BlockSpec((_TM, 128), lambda i, t, ex, v, o: (t[i], 0)),
    )
    sorted_dec = pl.pallas_call(
        _leaf_body,
        grid_spec=grid_spec,
        out_shape=jax.ShapeDtypeStruct((n, 128), jnp.float32),
        compiler_params=pltpu.CompilerParams(
            dimension_semantics=("arbitrary",),
        ),
    )(tile_ids, group_ids, valid, off_full,
      xs, W_leaf_node, b_leaf_node.reshape(e, 1, d),
      W_leaf_dense, b_leaf_dense.reshape(e, 1, e))

    ordered = _sc_scatter(sorted_dec, pos, n // _NW)[:, :e]
    return jnp.concatenate([dec_out[:, None, :], ordered[:, None, :]], axis=1)

# --- scband reference (transcript-rebuilt; emitter-appended) ---
"""Pipeline reference for scband-wrapper-56899726738120 (READ-ONLY COPY).

The authoritative reference and input builder live on the scoring server;
editing this copy changes nothing except your own understanding.
"""

import jax, jax.numpy as jnp
import numpy as np

N, D, E = 8192, 1024, 8


def setup_inputs(seed: int = 0) -> dict:
    key = jax.random.key(seed)
    ks = jax.random.split(key, 8)
    s = 1.0 / np.sqrt(D)
    inp = {}
    inp['inputs'] = jax.random.normal(ks[0], (N, D), dtype=jnp.float32)
    # root node: Dense(D, relu)
    inp['W_node'] = jax.random.normal(ks[1], (D, D), dtype=jnp.float32) * s
    inp['b_node'] = jnp.zeros((D,), dtype=jnp.float32)
    # root decision dense: Dense(E, softmax)
    inp['W_router'] = jax.random.normal(ks[2], (D, E), dtype=jnp.float32) * s
    inp['b_router'] = jnp.zeros((E,), dtype=jnp.float32)
    # E leaf children, each with node Dense(D, relu) and decision Dense(E, softmax)
    inp['W_leaf_node'] = jax.random.normal(ks[3], (E, D, D), dtype=jnp.float32) * s
    inp['b_leaf_node'] = jnp.zeros((E, D), dtype=jnp.float32)
    inp['W_leaf_dense'] = jax.random.normal(ks[4], (E, D, E), dtype=jnp.float32) * s
    inp['b_leaf_dense'] = jnp.zeros((E, E), dtype=jnp.float32)
    return inp


def _leaf(x, Wn, bn, Wd, bd):
    # leaf Wrapper.call: out = node(x); dec = softmax(Dense(flatten(out))); return expand_dims(dec, 1)
    out = jax.nn.relu(x @ Wn + bn)
    dec = jax.nn.softmax(out @ Wd + bd, axis=-1)
    return dec[:, None, :]


def reference(inputs, W_node, b_node, W_router, b_router, W_leaf_node, b_leaf_node, W_leaf_dense, b_leaf_dense):
    # root Wrapper.call (isLeaf=False, sendOutputToChildren=False)
    output = jax.nn.relu(inputs @ W_node + b_node)
    nextInputs = output
    decisionOut = jax.nn.softmax(output @ W_router + b_router, axis=-1)  # [N, E]
    decision = jnp.argmax(decisionOut, axis=-1)  # [N]
    decisionOut_e = decisionOut[:, None, :]  # [N, 1, E]
    indices = jnp.cumsum(jnp.ones_like(decision)) - 1  # arange(N)
    perm = jnp.argsort(decision, stable=True)  # concat of per-expert masked indices
    allOutputs = []
    for i in range(E):
        result = _leaf(inputs, W_leaf_node[i], b_leaf_node[i], W_leaf_dense[i], b_leaf_dense[i])
        allOutputs.append(result)
    stacked = jnp.stack(allOutputs, axis=0)  # [E, N, 1, E]
    perRow = stacked[decision, indices]  # [N, 1, E] rows by assigned expert
    # NOTE: faithful to the original tf.gather(concat(outputs), concat(mappings)) (no inverse-permutation)
    concatOutputs = jnp.take(perRow, perm, axis=0)
    orderedOutputs = jnp.take(concatOutputs, perm, axis=0)  # [N, 1, E]
    results = jnp.concatenate([decisionOut_e, orderedOutputs], axis=-2)  # [N, 2, E]
    return results

if __name__ == "__main__":
    import jax
    _d = setup_inputs()
    print(jax.jit(kernel)(*tuple(_d.values())))

</pallas_src>

<mosaic_0001>
#map = affine_map<(d0, d1) -> (0, 0)>
#map1 = affine_map<(d0, d1) -> (0)>
module attributes {stable_mosaic.version = 14 : i64} {
  func.func @k(%arg0: i32, %arg1: i32, %arg2: memref<8192x1024xf32, #tpu.memory_space<hbm>>, %arg3: memref<8192xi32, #tpu.memory_space<hbm>>, %arg4: memref<8192x1024xf32, #tpu.memory_space<hbm>>, %arg5: memref<64xi32, #tpu.memory_space<vmem>>, %arg6: memref<64x1024xf32, #tpu.memory_space<vmem>>, %arg7: memref<!tpu.dma_semaphore, #tpu.memory_space<semaphore_mem>>) attributes {dimension_semantics = [#tpu.dimension_semantics<core_parallel>, #tpu.dimension_semantics<subcore_parallel>], iteration_bounds = array<i64: 2, 16>, scalar_prefetch = 0 : i64, scratch_operands = 3 : i64, tpu.core_type = #tpu.core_type<sc_vector_subcore>, window_params = [{transform_indices = #map}, {transform_indices = #map1}, {transform_indices = #map}]} {
    %mul3A = arith.constant 2 : i32
    %mul3A_0 = arith.muli %arg1, %mul3A : i32
    %add3A = arith.addi %mul3A_0, %arg0 : i32
    %mul3A_1 = arith.constant 256 : i32
    %mul3A_2 = arith.muli %add3A, %mul3A_1 : i32
    %add3A_3 = arith.constant 0 : i32
    %add3A_4 = arith.addi %mul3A_2, %add3A_3 : i32
    "tpu.region"() ({
      %run_scoped3A = tpu.sem_alloc : memref<!tpu.dma_semaphore, #tpu.memory_space<semaphore_mem>>
      %dma_start3A_33 = tpu.memref_slice %arg3[%add3A_4] : memref<8192xi32, #tpu.memory_space<hbm>> -> memref<64xi32, #tpu.memory_space<hbm>>
      %dma_start3A_34 = tpu.memref_slice %arg3[%add3A_4] : memref<8192xi32, #tpu.memory_space<hbm>> -> memref<64xi32, #tpu.memory_space<hbm>>
      tpu.enqueue_dma source(%dma_start3A_34 : memref<64xi32, #tpu.memory_space<hbm>>) target(%arg5 : memref<64xi32, #tpu.memory_space<vmem>>) target_semaphore(%run_scoped3A : memref<!tpu.dma_semaphore, #tpu.memory_space<semaphore_mem>>)
      %dma_wait3A_35 = tpu.memref_slice %arg3[%add3A_4] : memref<8192xi32, #tpu.memory_space<hbm>> -> memref<64xi32, #tpu.memory_space<hbm>>
      %dma_wait3A_36 = tpu.memref_slice %arg3[%add3A_4] : memref<8192xi32, #tpu.memory_space<hbm>> -> memref<64xi32, #tpu.memory_space<hbm>>
      tpu.wait_dma2 semaphore(%run_scoped3A : memref<!tpu.dma_semaphore, #tpu.memory_space<semaphore_mem>>) src(%dma_wait3A_36 : memref<64xi32, #tpu.memory_space<hbm>>) dst(%arg5 : memref<64xi32, #tpu.memory_space<vmem>>)
      tpu.yield
    }) : () -> ()
    "tpu.region"() ({
      %run_scoped3A = tpu.sem_alloc : memref<!tpu.dma_semaphore, #tpu.memory_space<semaphore_mem>>
      %dma_start3A_33 = arith.constant 0 : i32
      %dma_start3A_34 = tpu.memref_slice %arg2[%add3A_4, %dma_start3A_33] : memref<8192x1024xf32, #tpu.memory_space<hbm>> -> memref<64x1024xf32, #tpu.memory_space<hbm>>
      %dma_start3A_35 = arith.constant 0 : i32
      %dma_start3A_36 = tpu.memref_slice %arg2[%add3A_4, %dma_start3A_35] : memref<8192x1024xf32, #tpu.memory_space<hbm>> -> memref<64x1024xf32, #tpu.memory_space<hbm>>
      tpu.enqueue_dma source(%dma_start3A_36 : memref<64x1024xf32, #tpu.memory_space<hbm>>) target(%arg6 : memref<64x1024xf32, #tpu.memory_space<vmem>>) target_semaphore(%run_scoped3A : memref<!tpu.dma_semaphore, #tpu.memory_space<semaphore_mem>>)
      %dma_wait3A_37 = arith.constant 0 : i32
      %dma_wait3A_38 = tpu.memref_slice %arg2[%add3A_4, %dma_wait3A_37] : memref<8192x1024xf32, #tpu.memory_space<hbm>> -> memref<64x1024xf32, #tpu.memory_space<hbm>>
      %dma_wait3A_39 = arith.constant 0 : i32
      %dma_wait3A_40 = tpu.memref_slice %arg2[%add3A_4, %dma_wait3A_39] : memref<8192x1024xf32, #tpu.memory_space<hbm>> -> memref<64x1024xf32, #tpu.memory_space<hbm>>
      tpu.wait_dma2 semaphore(%run_scoped3A : memref<!tpu.dma_semaphore, #tpu.memory_space<semaphore_mem>>) src(%dma_wait3A_40 : memref<64x1024xf32, #tpu.memory_space<hbm>>) dst(%arg6 : memref<64x1024xf32, #tpu.memory_space<vmem>>)
      tpu.yield
    }) : () -> ()
    %dma_start3A = arith.constant 0 : i32
    %dma_start3A_5 = arith.constant 0 : i32
    %dma_start3A_6 = tpu.memref_slice %arg4[%dma_start3A, %dma_start3A_5] : memref<8192x1024xf32, #tpu.memory_space<hbm>> -> memref<8192x1024xf32, #tpu.memory_space<hbm>>
    tpu.enqueue_indirect_dma source(%arg6 : memref<64x1024xf32, #tpu.memory_space<vmem>>) target(%dma_start3A_6 : memref<8192x1024xf32, #tpu.memory_space<hbm>>) offsets(%arg5 : memref<64xi32, #tpu.memory_space<vmem>>) semaphore(%arg7 : memref<!tpu.dma_semaphore, #tpu.memory_space<semaphore_mem>>)
    %dma_wait3A = arith.constant 0 : i32
    %dma_wait3A_7 = arith.constant 0 : i32
    %dma_wait3A_8 = tpu.memref_slice %arg4[%dma_wait3A, %dma_wait3A_7] : memref<8192x1024xf32, #tpu.memory_space<hbm>> -> memref<8192x1024xf32, #tpu.memory_space<hbm>>
    tpu.wait_indirect_dma semaphore(%arg7 : memref<!tpu.dma_semaphore, #tpu.memory_space<semaphore_mem>>) src(%arg6 : memref<64x1024xf32, #tpu.memory_space<vmem>>) dst(%dma_wait3A_8 : memref<8192x1024xf32, #tpu.memory_space<hbm>>)
    %add3A_9 = arith.constant 64 : i32
    %add3A_10 = arith.addi %mul3A_2, %add3A_9 : i32
    "tpu.region"() ({
      %run_scoped3A = tpu.sem_alloc : memref<!tpu.dma_semaphore, #tpu.memory_space<semaphore_mem>>
      %dma_start3A_33 = tpu.memref_slice %arg3[%add3A_10] : memref<8192xi32, #tpu.memory_space<hbm>> -> memref<64xi32, #tpu.memory_space<hbm>>
      %dma_start3A_34 = tpu.memref_slice %arg3[%add3A_10] : memref<8192xi32, #tpu.memory_space<hbm>> -> memref<64xi32, #tpu.memory_space<hbm>>
      tpu.enqueue_dma source(%dma_start3A_34 : memref<64xi32, #tpu.memory_space<hbm>>) target(%arg5 : memref<64xi32, #tpu.memory_space<vmem>>) target_semaphore(%run_scoped3A : memref<!tpu.dma_semaphore, #tpu.memory_space<semaphore_mem>>)
      %dma_wait3A_35 = tpu.memref_slice %arg3[%add3A_10] : memref<8192xi32, #tpu.memory_space<hbm>> -> memref<64xi32, #tpu.memory_space<hbm>>
      %dma_wait3A_36 = tpu.memref_slice %arg3[%add3A_10] : memref<8192xi32, #tpu.memory_space<hbm>> -> memref<64xi32, #tpu.memory_space<hbm>>
      tpu.wait_dma2 semaphore(%run_scoped3A : memref<!tpu.dma_semaphore, #tpu.memory_space<semaphore_mem>>) src(%dma_wait3A_36 : memref<64xi32, #tpu.memory_space<hbm>>) dst(%arg5 : memref<64xi32, #tpu.memory_space<vmem>>)
      tpu.yield
    }) : () -> ()
    "tpu.region"() ({
      %run_scoped3A = tpu.sem_alloc : memref<!tpu.dma_semaphore, #tpu.memory_space<semaphore_mem>>
      %dma_start3A_33 = arith.constant 0 : i32
      %dma_start3A_34 = tpu.memref_slice %arg2[%add3A_10, %dma_start3A_33] : memref<8192x1024xf32, #tpu.memory_space<hbm>> -> memref<64x1024xf32, #tpu.memory_space<hbm>>
      %dma_start3A_35 = arith.constant 0 : i32
      %dma_start3A_36 = tpu.memref_slice %arg2[%add3A_10, %dma_start3A_35] : memref<8192x1024xf32, #tpu.memory_space<hbm>> -> memref<64x1024xf32, #tpu.memory_space<hbm>>
      tpu.enqueue_dma source(%dma_start3A_36 : memref<64x1024xf32, #tpu.memory_space<hbm>>) target(%arg6 : memref<64x1024xf32, #tpu.memory_space<vmem>>) target_semaphore(%run_scoped3A : memref<!tpu.dma_semaphore, #tpu.memory_space<semaphore_mem>>)
      %dma_wait3A_37 = arith.constant 0 : i32
      %dma_wait3A_38 = tpu.memref_slice %arg2[%add3A_10, %dma_wait3A_37] : memref<8192x1024xf32, #tpu.memory_space<hbm>> -> memref<64x1024xf32, #tpu.memory_space<hbm>>
      %dma_wait3A_39 = arith.constant 0 : i32
      %dma_wait3A_40 = tpu.memref_slice %arg2[%add3A_10, %dma_wait3A_39] : memref<8192x1024xf32, #tpu.memory_space<hbm>> -> memref<64x1024xf32, #tpu.memory_space<hbm>>
      tpu.wait_dma2 semaphore(%run_scoped3A : memref<!tpu.dma_semaphore, #tpu.memory_space<semaphore_mem>>) src(%dma_wait3A_40 : memref<64x1024xf32, #tpu.memory_space<hbm>>) dst(%arg6 : memref<64x1024xf32, #tpu.memory_space<vmem>>)
      tpu.yield
    }) : () -> ()
    %dma_start3A_11 = arith.constant 0 : i32
    %dma_start3A_12 = arith.constant 0 : i32
    %dma_start3A_13 = tpu.memref_slice %arg4[%dma_start3A_11, %dma_start3A_12] : memref<8192x1024xf32, #tpu.memory_space<hbm>> -> memref<8192x1024xf32, #tpu.memory_space<hbm>>
    tpu.enqueue_indirect_dma source(%arg6 : memref<64x1024xf32, #tpu.memory_space<vmem>>) target(%dma_start3A_13 : memref<8192x1024xf32, #tpu.memory_space<hbm>>) offsets(%arg5 : memref<64xi32, #tpu.memory_space<vmem>>) semaphore(%arg7 : memref<!tpu.dma_semaphore, #tpu.memory_space<semaphore_mem>>)
    %dma_wait3A_14 = arith.constant 0 : i32
    %dma_wait3A_15 = arith.constant 0 : i32
    %dma_wait3A_16 = tpu.memref_slice %arg4[%dma_wait3A_14, %dma_wait3A_15] : memref<8192x1024xf32, #tpu.memory_space<hbm>> -> memref<8192x1024xf32, #tpu.memory_space<hbm>>
    tpu.wait_indirect_dma semaphore(%arg7 : memref<!tpu.dma_semaphore, #tpu.memory_space<semaphore_mem>>) src(%arg6 : memref<64x1024xf32, #tpu.memory_space<vmem>>) dst(%dma_wait3A_16 : memref<8192x1024xf32, #tpu.memory_space<hbm>>)
    %add3A_17 = arith.constant 128 : i32
    %add3A_18 = arith.addi %mul3A_2, %add3A_17 : i32
    "tpu.region"() ({
      %run_scoped3A = tpu.sem_alloc : memref<!tpu.dma_semaphore, #tpu.memory_space<semaphore_mem>>
      %dma_start3A_33 = tpu.memref_slice %arg3[%add3A_18] : memref<8192xi32, #tpu.memory_space<hbm>> -> memref<64xi32, #tpu.memory_space<hbm>>
      %dma_start3A_34 = tpu.memref_slice %arg3[%add3A_18] : memref<8192xi32, #tpu.memory_space<hbm>> -> memref<64xi32, #tpu.memory_space<hbm>>
      tpu.enqueue_dma source(%dma_start3A_34 : memref<64xi32, #tpu.memory_space<hbm>>) target(%arg5 : memref<64xi32, #tpu.memory_space<vmem>>) target_semaphore(%run_scoped3A : memref<!tpu.dma_semaphore, #tpu.memory_space<semaphore_mem>>)
      %dma_wait3A_35 = tpu.memref_slice %arg3[%add3A_18] : memref<8192xi32, #tpu.memory_space<hbm>> -> memref<64xi32, #tpu.memory_space<hbm>>
      %dma_wait3A_36 = tpu.memref_slice %arg3[%add3A_18] : memref<8192xi32, #tpu.memory_space<hbm>> -> memref<64xi32, #tpu.memory_space<hbm>>
      tpu.wait_dma2 semaphore(%run_scoped3A : memref<!tpu.dma_semaphore, #tpu.memory_space<semaphore_mem>>) src(%dma_wait3A_36 : memref<64xi32, #tpu.memory_space<hbm>>) dst(%arg5 : memref<64xi32, #tpu.memory_space<vmem>>)
      tpu.yield
    }) : () -> ()
    "tpu.region"() ({
      %run_scoped3A = tpu.sem_alloc : memref<!tpu.dma_semaphore, #tpu.memory_space<semaphore_mem>>
      %dma_start3A_33 = arith.constant 0 : i32
      %dma_start3A_34 = tpu.memref_slice %arg2[%add3A_18, %dma_start3A_33] : memref<8192x1024xf32, #tpu.memory_space<hbm>> -> memref<64x1024xf32, #tpu.memory_space<hbm>>
      %dma_start3A_35 = arith.constant 0 : i32
      %dma_start3A_36 = tpu.memref_slice %arg2[%add3A_18, %dma_start3A_35] : memref<8192x1024xf32, #tpu.memory_space<hbm>> -> memref<64x1024xf32, #tpu.memory_space<hbm>>
      tpu.enqueue_dma source(%dma_start3A_36 : memref<64x1024xf32, #tpu.memory_space<hbm>>) target(%arg6 : memref<64x1024xf32, #tpu.memory_space<vmem>>) target_semaphore(%run_scoped3A : memref<!tpu.dma_semaphore, #tpu.memory_space<semaphore_mem>>)
      %dma_wait3A_37 = arith.constant 0 : i32
      %dma_wait3A_38 = tpu.memref_slice %arg2[%add3A_18, %dma_wait3A_37] : memref<8192x1024xf32, #tpu.memory_space<hbm>> -> memref<64x1024xf32, #tpu.memory_space<hbm>>
      %dma_wait3A_39 = arith.constant 0 : i32
      %dma_wait3A_40 = tpu.memref_slice %arg2[%add3A_18, %dma_wait3A_39] : memref<8192x1024xf32, #tpu.memory_space<hbm>> -> memref<64x1024xf32, #tpu.memory_space<hbm>>
      tpu.wait_dma2 semaphore(%run_scoped3A : memref<!tpu.dma_semaphore, #tpu.memory_space<semaphore_mem>>) src(%dma_wait3A_40 : memref<64x1024xf32, #tpu.memory_space<hbm>>) dst(%arg6 : memref<64x1024xf32, #tpu.memory_space<vmem>>)
      tpu.yield
    }) : () -> ()
    %dma_start3A_19 = arith.constant 0 : i32
    %dma_start3A_20 = arith.constant 0 : i32
    %dma_start3A_21 = tpu.memref_slice %arg4[%dma_start3A_19, %dma_start3A_20] : memref<8192x1024xf32, #tpu.memory_space<hbm>> -> memref<8192x1024xf32, #tpu.memory_space<hbm>>
    tpu.enqueue_indirect_dma source(%arg6 : memref<64x1024xf32, #tpu.memory_space<vmem>>) target(%dma_start3A_21 : memref<8192x1024xf32, #tpu.memory_space<hbm>>) offsets(%arg5 : memref<64xi32, #tpu.memory_space<vmem>>) semaphore(%arg7 : memref<!tpu.dma_semaphore, #tpu.memory_space<semaphore_mem>>)
    %dma_wait3A_22 = arith.constant 0 : i32
    %dma_wait3A_23 = arith.constant 0 : i32
    %dma_wait3A_24 = tpu.memref_slice %arg4[%dma_wait3A_22, %dma_wait3A_23] : memref<8192x1024xf32, #tpu.memory_space<hbm>> -> memref<8192x1024xf32, #tpu.memory_space<hbm>>
    tpu.wait_indirect_dma semaphore(%arg7 : memref<!tpu.dma_semaphore, #tpu.memory_space<semaphore_mem>>) src(%arg6 : memref<64x1024xf32, #tpu.memory_space<vmem>>) dst(%dma_wait3A_24 : memref<8192x1024xf32, #tpu.memory_space<hbm>>)
    %add3A_25 = arith.constant 192 : i32
    %add3A_26 = arith.addi %mul3A_2, %add3A_25 : i32
    "tpu.region"() ({
      %run_scoped3A = tpu.sem_alloc : memref<!tpu.dma_semaphore, #tpu.memory_space<semaphore_mem>>
      %dma_start3A_33 = tpu.memref_slice %arg3[%add3A_26] : memref<8192xi32, #tpu.memory_space<hbm>> -> memref<64xi32, #tpu.memory_space<hbm>>
      %dma_start3A_34 = tpu.memref_slice %arg3[%add3A_26] : memref<8192xi32, #tpu.memory_space<hbm>> -> memref<64xi32, #tpu.memory_space<hbm>>
      tpu.enqueue_dma source(%dma_start3A_34 : memref<64xi32, #tpu.memory_space<hbm>>) target(%arg5 : memref<64xi32, #tpu.memory_space<vmem>>) target_semaphore(%run_scoped3A : memref<!tpu.dma_semaphore, #tpu.memory_space<semaphore_mem>>)
      %dma_wait3A_35 = tpu.memref_slice %arg3[%add3A_26] : memref<8192xi32, #tpu.memory_space<hbm>> -> memref<64xi32, #tpu.memory_space<hbm>>
      %dma_wait3A_36 = tpu.memref_slice %arg3[%add3A_26] : memref<8192xi32, #tpu.memory_space<hbm>> -> memref<64xi32, #tpu.memory_space<hbm>>
      tpu.wait_dma2 semaphore(%run_scoped3A : memref<!tpu.dma_semaphore, #tpu.memory_space<semaphore_mem>>) src(%dma_wait3A_36 : memref<64xi32, #tpu.memory_space<hbm>>) dst(%arg5 : memref<64xi32, #tpu.memory_space<vmem>>)
      tpu.yield
    }) : () -> ()
    "tpu.region"() ({
      %run_scoped3A = tpu.sem_alloc : memref<!tpu.dma_semaphore, #tpu.memory_space<semaphore_mem>>
      %dma_start3A_33 = arith.constant 0 : i32
      %dma_start3A_34 = tpu.memref_slice %arg2[%add3A_26, %dma_start3A_33] : memref<8192x1024xf32, #tpu.memory_space<hbm>> -> memref<64x1024xf32, #tpu.memory_space<hbm>>
      %dma_start3A_35 = arith.constant 0 : i32
      %dma_start3A_36 = tpu.memref_slice %arg2[%add3A_26, %dma_start3A_35] : memref<8192x1024xf32, #tpu.memory_space<hbm>> -> memref<64x1024xf32, #tpu.memory_space<hbm>>
      tpu.enqueue_dma source(%dma_start3A_36 : memref<64x1024xf32, #tpu.memory_space<hbm>>) target(%arg6 : memref<64x1024xf32, #tpu.memory_space<vmem>>) target_semaphore(%run_scoped3A : memref<!tpu.dma_semaphore, #tpu.memory_space<semaphore_mem>>)
      %dma_wait3A_37 = arith.constant 0 : i32
      %dma_wait3A_38 = tpu.memref_slice %arg2[%add3A_26, %dma_wait3A_37] : memref<8192x1024xf32, #tpu.memory_space<hbm>> -> memref<64x1024xf32, #tpu.memory_space<hbm>>
      %dma_wait3A_39 = arith.constant 0 : i32
      %dma_wait3A_40 = tpu.memref_slice %arg2[%add3A_26, %dma_wait3A_39] : memref<8192x1024xf32, #tpu.memory_space<hbm>> -> memref<64x1024xf32, #tpu.memory_space<hbm>>
      tpu.wait_dma2 semaphore(%run_scoped3A : memref<!tpu.dma_semaphore, #tpu.memory_space<semaphore_mem>>) src(%dma_wait3A_40 : memref<64x1024xf32, #tpu.memory_space<hbm>>) dst(%arg6 : memref<64x1024xf32, #tpu.memory_space<vmem>>)
      tpu.yield
    }) : () -> ()
    %dma_start3A_27 = arith.constant 0 : i32
    %dma_start3A_28 = arith.constant 0 : i32
    %dma_start3A_29 = tpu.memref_slice %arg4[%dma_start3A_27, %dma_start3A_28] : memref<8192x1024xf32, #tpu.memory_space<hbm>> -> memref<8192x1024xf32, #tpu.memory_space<hbm>>
    tpu.enqueue_indirect_dma source(%arg6 : memref<64x1024xf32, #tpu.memory_space<vmem>>) target(%dma_start3A_29 : memref<8192x1024xf32, #tpu.memory_space<hbm>>) offsets(%arg5 : memref<64xi32, #tpu.memory_space<vmem>>) semaphore(%arg7 : memref<!tpu.dma_semaphore, #tpu.memory_space<semaphore_mem>>)
    %dma_wait3A_30 = arith.constant 0 : i32
    %dma_wait3A_31 = arith.constant 0 : i32
    %dma_wait3A_32 = tpu.memref_slice %arg4[%dma_wait3A_30, %dma_wait3A_31] : memref<8192x1024xf32, #tpu.memory_space<hbm>> -> memref<8192x1024xf32, #tpu.memory_space<hbm>>
    tpu.wait_indirect_dma semaphore(%arg7 : memref<!tpu.dma_semaphore, #tpu.memory_space<semaphore_mem>>) src(%arg6 : memref<64x1024xf32, #tpu.memory_space<vmem>>) dst(%dma_wait3A_32 : memref<8192x1024xf32, #tpu.memory_space<hbm>>)
    return
  }
}

#map = affine_map<(d0, d1) -> (0, 0)>
#map1 = affine_map<(d0, d1) -> (0)>
module attributes {stable_mosaic.version = 14 : i64} {
  func.func @k(%arg0: i32, %arg1: i32, %arg2: memref<8192x128xf32, #tpu.memory_space<hbm>>, %arg3: memref<8192xi32, #tpu.memory_space<hbm>>, %arg4: memref<8192x128xf32, #tpu.memory_space<hbm>>, %arg5: memref<256xi32, #tpu.memory_space<vmem>>, %arg6: memref<256x128xf32, #tpu.memory_space<vmem>>, %arg7: memref<!tpu.dma_semaphore, #tpu.memory_space<semaphore_mem>>) attributes {dimension_semantics = [#tpu.dimension_semantics<core_parallel>, #tpu.dimension_semantics<subcore_parallel>], iteration_bounds = array<i64: 2, 16>, scalar_prefetch = 0 : i64, scratch_operands = 3 : i64, tpu.core_type = #tpu.core_type<sc_vector_subcore>, window_params = [{transform_indices = #map}, {transform_indices = #map1}, {transform_indices = #map}]} {
    %mul3A = arith.constant 2 : i32
    %mul3A_0 = arith.muli %arg1, %mul3A : i32
    %add3A = arith.addi %mul3A_0, %arg0 : i32
    %mul3A_1 = arith.constant 256 : i32
    %mul3A_2 = arith.muli %add3A, %mul3A_1 : i32
    %add3A_3 = arith.constant 0 : i32
    %add3A_4 = arith.addi %mul3A_2, %add3A_3 : i32
    "tpu.region"() ({
      %run_scoped3A = tpu.sem_alloc : memref<!tpu.dma_semaphore, #tpu.memory_space<semaphore_mem>>
      %dma_start3A_9 = tpu.memref_slice %arg3[%add3A_4] : memref<8192xi32, #tpu.memory_space<hbm>> -> memref<256xi32, #tpu.memory_space<hbm>>
      %dma_start3A_10 = tpu.memref_slice %arg3[%add3A_4] : memref<8192xi32, #tpu.memory_space<hbm>> -> memref<256xi32, #tpu.memory_space<hbm>>
      tpu.enqueue_dma source(%dma_start3A_10 : memref<256xi32, #tpu.memory_space<hbm>>) target(%arg5 : memref<256xi32, #tpu.memory_space<vmem>>) target_semaphore(%run_scoped3A : memref<!tpu.dma_semaphore, #tpu.memory_space<semaphore_mem>>)
      %dma_wait3A_11 = tpu.memref_slice %arg3[%add3A_4] : memref<8192xi32, #tpu.memory_space<hbm>> -> memref<256xi32, #tpu.memory_space<hbm>>
      %dma_wait3A_12 = tpu.memref_slice %arg3[%add3A_4] : memref<8192xi32, #tpu.memory_space<hbm>> -> memref<256xi32, #tpu.memory_space<hbm>>
      tpu.wait_dma2 semaphore(%run_scoped3A : memref<!tpu.dma_semaphore, #tpu.memory_space<semaphore_mem>>) src(%dma_wait3A_12 : memref<256xi32, #tpu.memory_space<hbm>>) dst(%arg5 : memref<256xi32, #tpu.memory_space<vmem>>)
      tpu.yield
    }) : () -> ()
    "tpu.region"() ({
      %run_scoped3A = tpu.sem_alloc : memref<!tpu.dma_semaphore, #tpu.memory_space<semaphore_mem>>
      %dma_start3A_9 = arith.constant 0 : i32
      %dma_start3A_10 = tpu.memref_slice %arg2[%add3A_4, %dma_start3A_9] : memref<8192x128xf32, #tpu.memory_space<hbm>> -> memref<256x128xf32, #tpu.memory_space<hbm>>
      %dma_start3A_11 = arith.constant 0 : i32
      %dma_start3A_12 = tpu.memref_slice %arg2[%add3A_4, %dma_start3A_11] : memref<8192x128xf32, #tpu.memory_space<hbm>> -> memref<256x128xf32, #tpu.memory_space<hbm>>
      tpu.enqueue_dma source(%dma_start3A_12 : memref<256x128xf32, #tpu.memory_space<hbm>>) target(%arg6 : memref<256x128xf32, #tpu.memory_space<vmem>>) target_semaphore(%run_scoped3A : memref<!tpu.dma_semaphore, #tpu.memory_space<semaphore_mem>>)
      %dma_wait3A_13 = arith.constant 0 : i32
      %dma_wait3A_14 = tpu.memref_slice %arg2[%add3A_4, %dma_wait3A_13] : memref<8192x128xf32, #tpu.memory_space<hbm>> -> memref<256x128xf32, #tpu.memory_space<hbm>>
      %dma_wait3A_15 = arith.constant 0 : i32
      %dma_wait3A_16 = tpu.memref_slice %arg2[%add3A_4, %dma_wait3A_15] : memref<8192x128xf32, #tpu.memory_space<hbm>> -> memref<256x128xf32, #tpu.memory_space<hbm>>
      tpu.wait_dma2 semaphore(%run_scoped3A : memref<!tpu.dma_semaphore, #tpu.memory_space<semaphore_mem>>) src(%dma_wait3A_16 : memref<256x128xf32, #tpu.memory_space<hbm>>) dst(%arg6 : memref<256x128xf32, #tpu.memory_space<vmem>>)
      tpu.yield
    }) : () -> ()
    %dma_start3A = arith.constant 0 : i32
    %dma_start3A_5 = arith.constant 0 : i32
    %dma_start3A_6 = tpu.memref_slice %arg4[%dma_start3A, %dma_start3A_5] : memref<8192x128xf32, #tpu.memory_space<hbm>> -> memref<8192x128xf32, #tpu.memory_space<hbm>>
    tpu.enqueue_indirect_dma source(%arg6 : memref<256x128xf32, #tpu.memory_space<vmem>>) target(%dma_start3A_6 : memref<8192x128xf32, #tpu.memory_space<hbm>>) offsets(%arg5 : memref<256xi32, #tpu.memory_space<vmem>>) semaphore(%arg7 : memref<!tpu.dma_semaphore, #tpu.memory_space<semaphore_mem>>)
    %dma_wait3A = arith.constant 0 : i32
    %dma_wait3A_7 = arith.constant 0 : i32
    %dma_wait3A_8 = tpu.memref_slice %arg4[%dma_wait3A, %dma_wait3A_7] : memref<8192x128xf32, #tpu.memory_space<hbm>> -> memref<8192x128xf32, #tpu.memory_space<hbm>>
    tpu.wait_indirect_dma semaphore(%arg7 : memref<!tpu.dma_semaphore, #tpu.memory_space<semaphore_mem>>) src(%arg6 : memref<256x128xf32, #tpu.memory_space<vmem>>) dst(%dma_wait3A_8 : memref<8192x128xf32, #tpu.memory_space<hbm>>)
    return
  }
}

module attributes {stable_mosaic.version = 14 : i64} {
  func.func @_epi_body(%arg0: i32, %arg1: memref<1024x8xf32, #tpu.memory_space<vmem>>, %arg2: memref<1x8xi32, #tpu.memory_space<vmem>>, %arg3: memref<1024x8xf32, #tpu.memory_space<vmem>>, %arg4: memref<1024x1xi32, #tpu.memory_space<vmem>>, %arg5: memref<1x8xf32, #tpu.memory_space<vmem>>, %arg6: memref<1x8xf32, #tpu.memory_space<vmem>>, %arg7: memref<1024x1024xbf16, #tpu.memory_space<vmem>>) attributes {dimension_semantics = [#tpu.dimension_semantics<arbitrary>], iteration_bounds = array<i64: 8>, scalar_prefetch = 0 : i64, scratch_operands = 3 : i64, tpu.core_type = #tpu.core_type<tc>, window_params = [{transform_indices = @transform_0, window_bounds = array<i64: 1024, 8>}, {pipeline_mode = #tpu.pipeline_mode<synchronous>, transform_indices = @transform_1, window_bounds = array<i64: 1, 8>}, {transform_indices = @transform_2, window_bounds = array<i64: 1024, 8>}, {transform_indices = @transform_3, window_bounds = array<i64: 1024, 1>}]} {
    %get3A = arith.constant 0 : index
    %get3A_0 = arith.constant 0 : index
    %get3A_1 = vector.load %arg1[%get3A, %get3A_0] : memref<1024x8xf32, #tpu.memory_space<vmem>>, vector<1024x8xf32>
    %iota3A = tpu.iota {dimensions = array<i32: 1>} : vector<1024x8xi32>
    %reduce_max3A = arith.constant dense<0xFF800000> : vector<1024xf32>
    %reduce_max3A_2 = vector.multi_reduction <maximumf>, %get3A_1, %reduce_max3A [1] : vector<1024x8xf32> to vector<1024xf32>
    %broadcast_in_dim3A = vector.shape_cast %reduce_max3A_2 : vector<1024xf32> to vector<1024x1xf32>
    %eq3A = vector.broadcast %broadcast_in_dim3A : vector<1024x1xf32> to vector<1024x8xf32>
    %eq3A_3 = arith.cmpf oeq, %get3A_1, %eq3A : vector<1024x8xf32>
    %jit3A = arith.constant 8 : i32
    %broadcast_in_dim3A_4 = vector.broadcast %jit3A : i32 to vector<1024x8xi32>
    %select_n3A = arith.select %eq3A_3, %iota3A, %broadcast_in_dim3A_4 : vector<1024x8xi1>, vector<1024x8xi32>
    %reduce_min3A = arith.constant dense<2147483647> : vector<1024xi32>
    %reduce_min3A_5 = vector.multi_reduction <minsi>, %select_n3A, %reduce_min3A [1] : vector<1024x8xi32> to vector<1024xi32>
    %broadcast_in_dim3A_6 = vector.shape_cast %reduce_min3A_5 : vector<1024xi32> to vector<1024x1xi32>
    %eq3A_7 = vector.broadcast %broadcast_in_dim3A_6 : vector<1024x1xi32> to vector<1024x8xi32>
    %eq3A_8 = arith.cmpi eq, %iota3A, %eq3A_7 : vector<1024x8xi32>
    %eq3A_9 = arith.constant 0 : i32
    %eq3A_10 = arith.cmpi eq, %arg0, %eq3A_9 : i32
    %convert_element_type3A = arith.extui %eq3A_10 : i1 to i32
    %cond3A = arith.constant 0 : i32
    %cond3A_11 = arith.cmpi ne, %convert_element_type3A, %cond3A : i32
    scf.if %cond3A_11 {
      %broadcast_in_dim3A_52 = arith.constant 0.000000e+00 : f32
      %broadcast_in_dim3A_53 = vector.broadcast %broadcast_in_dim3A_52 : f32 to vector<1x8xf32>
      %swap3A_54 = arith.constant 0 : index
      %swap3A_55 = arith.constant 0 : index
      %swap3A_56 = vector.load %arg5[%swap3A_54, %swap3A_55] : memref<1x8xf32, #tpu.memory_space<vmem>>, vector<1x8xf32>
      tpu.vector_store %arg5[%swap3A_54, %swap3A_55], %broadcast_in_dim3A_53 {strides = array<i32>} : memref<1x8xf32, #tpu.memory_space<vmem>>, vector<1x8xf32>,
      %iota3A_57 = tpu.iota {dimensions = array<i32: 1>} : vector<1x8xi32>
      %get3A_58 = arith.constant 0 : index
      %get3A_59 = arith.constant 0 : index
      %get3A_60 = vector.load %arg2[%get3A_58, %get3A_59] : memref<1x8xi32, #tpu.memory_space<vmem>>, vector<1x8xi32>
      %broadcast_in_dim3A_61 = arith.constant 0 : i32
      %broadcast_in_dim3A_62 = vector.broadcast %broadcast_in_dim3A_61 : i32 to vector<1x8xi32>
      %lt3A = arith.constant 1 : i32
      %lt3A_63 = vector.broadcast %lt3A : i32 to vector<1x8xi32>
      %lt3A_64 = arith.cmpi slt, %iota3A_57, %lt3A_63 : vector<1x8xi32>
      %jit3A_65 = arith.constant 0 : i32
      %broadcast_in_dim3A_66 = vector.broadcast %jit3A_65 : i32 to vector<1x8xi32>
      %select_n3A_67 = arith.select %lt3A_64, %get3A_60, %broadcast_in_dim3A_66 : vector<1x8xi1>, vector<1x8xi32>
      %reduce_sum3A_68 = vector.shape_cast %select_n3A_67 : vector<1x8xi32> to vector<1x1x8xi32>
      %reduce_sum3A_69 = arith.constant dense<0> : vector<1xi32>
      %reduce_sum3A_70 = vector.multi_reduction <add>, %reduce_sum3A_68, %reduce_sum3A_69 [1, 2] : vector<1x1x8xi32> to vector<1xi32>
      %reduce_sum3A_71 = vector.shape_cast %reduce_sum3A_70 : vector<1xi32> to vector<1x1x1xi32>
      %reduce_sum3A_72 = vector.extract %reduce_sum3A_71[0, 0, 0] : i32 from vector<1x1x1xi32>
      %eq3A_73 = arith.constant 1 : i32
      %eq3A_74 = vector.broadcast %eq3A_73 : i32 to vector<1x8xi32>
      %eq3A_75 = arith.cmpi eq, %iota3A_57, %eq3A_74 : vector<1x8xi32>
      %jit3A_76 = arith.constant 0 : i32
      %broadcast_in_dim3A_77 = vector.broadcast %reduce_sum3A_72 : i32 to vector<1x8xi32>
      %broadcast_in_dim3A_78 = vector.broadcast %jit3A_76 : i32 to vector<1x8xi32>
      %select_n3A_79 = arith.select %eq3A_75, %broadcast_in_dim3A_77, %broadcast_in_dim3A_78 : vector<1x8xi1>, vector<1x8xi32>
      %add3A_80 = arith.addi %broadcast_in_dim3A_62, %select_n3A_79 : vector<1x8xi32>
      %lt3A_81 = arith.constant 2 : i32
      %lt3A_82 = vector.broadcast %lt3A_81 : i32 to vector<1x8xi32>
      %lt3A_83 = arith.cmpi slt, %iota3A_57, %lt3A_82 : vector<1x8xi32>
      %jit3A_84 = arith.constant 0 : i32
      %broadcast_in_dim3A_85 = vector.broadcast %jit3A_84 : i32 to vector<1x8xi32>
      %select_n3A_86 = arith.select %lt3A_83, %get3A_60, %broadcast_in_dim3A_85 : vector<1x8xi1>, vector<1x8xi32>
      %reduce_sum3A_87 = vector.shape_cast %select_n3A_86 : vector<1x8xi32> to vector<1x1x8xi32>
      %reduce_sum3A_88 = arith.constant dense<0> : vector<1xi32>
      %reduce_sum3A_89 = vector.multi_reduction <add>, %reduce_sum3A_87, %reduce_sum3A_88 [1, 2] : vector<1x1x8xi32> to vector<1xi32>
      %reduce_sum3A_90 = vector.shape_cast %reduce_sum3A_89 : vector<1xi32> to vector<1x1x1xi32>
      %reduce_sum3A_91 = vector.extract %reduce_sum3A_90[0, 0, 0] : i32 from vector<1x1x1xi32>
      %eq3A_92 = arith.constant 2 : i32
      %eq3A_93 = vector.broadcast %eq3A_92 : i32 to vector<1x8xi32>
      %eq3A_94 = arith.cmpi eq, %iota3A_57, %eq3A_93 : vector<1x8xi32>
      %jit3A_95 = arith.constant 0 : i32
      %broadcast_in_dim3A_96 = vector.broadcast %reduce_sum3A_91 : i32 to vector<1x8xi32>
      %broadcast_in_dim3A_97 = vector.broadcast %jit3A_95 : i32 to vector<1x8xi32>
      %select_n3A_98 = arith.select %eq3A_94, %broadcast_in_dim3A_96, %broadcast_in_dim3A_97 : vector<1x8xi1>, vector<1x8xi32>
      %add3A_99 = arith.addi %add3A_80, %select_n3A_98 : vector<1x8xi32>
      %lt3A_100 = arith.constant 3 : i32
      %lt3A_101 = vector.broadcast %lt3A_100 : i32 to vector<1x8xi32>
      %lt3A_102 = arith.cmpi slt, %iota3A_57, %lt3A_101 : vector<1x8xi32>
      %jit3A_103 = arith.constant 0 : i32
      %broadcast_in_dim3A_104 = vector.broadcast %jit3A_103 : i32 to vector<1x8xi32>
      %select_n3A_105 = arith.select %lt3A_102, %get3A_60, %broadcast_in_dim3A_104 : vector<1x8xi1>, vector<1x8xi32>
      %reduce_sum3A_106 = vector.shape_cast %select_n3A_105 : vector<1x8xi32> to vector<1x1x8xi32>
      %reduce_sum3A_107 = arith.constant dense<0> : vector<1xi32>
      %reduce_sum3A_108 = vector.multi_reduction <add>, %reduce_sum3A_106, %reduce_sum3A_107 [1, 2] : vector<1x1x8xi32> to vector<1xi32>
      %reduce_sum3A_109 = vector.shape_cast %reduce_sum3A_108 : vector<1xi32> to vector<1x1x1xi32>
      %reduce_sum3A_110 = vector.extract %reduce_sum3A_109[0, 0, 0] : i32 from vector<1x1x1xi32>
      %eq3A_111 = arith.constant 3 : i32
      %eq3A_112 = vector.broadcast %eq3A_111 : i32 to vector<1x8xi32>
      %eq3A_113 = arith.cmpi eq, %iota3A_57, %eq3A_112 : vector<1x8xi32>
      %jit3A_114 = arith.constant 0 : i32
      %broadcast_in_dim3A_115 = vector.broadcast %reduce_sum3A_110 : i32 to vector<1x8xi32>
      %broadcast_in_dim3A_116 = vector.broadcast %jit3A_114 : i32 to vector<1x8xi32>
      %select_n3A_117 = arith.select %eq3A_113, %broadcast_in_dim3A_115, %broadcast_in_dim3A_116 : vector<1x8xi1>, vector<1x8xi32>
      %add3A_118 = arith.addi %add3A_99, %select_n3A_117 : vector<1x8xi32>
      %lt3A_119 = arith.constant 4 : i32
      %lt3A_120 = vector.broadcast %lt3A_119 : i32 to vector<1x8xi32>
      %lt3A_121 = arith.cmpi slt, %iota3A_57, %lt3A_120 : vector<1x8xi32>
      %jit3A_122 = arith.constant 0 : i32
      %broadcast_in_dim3A_123 = vector.broadcast %jit3A_122 : i32 to vector<1x8xi32>
      %select_n3A_124 = arith.select %lt3A_121, %get3A_60, %broadcast_in_dim3A_123 : vector<1x8xi1>, vector<1x8xi32>
      %reduce_sum3A_125 = vector.shape_cast %select_n3A_124 : vector<1x8xi32> to vector<1x1x8xi32>
      %reduce_sum3A_126 = arith.constant dense<0> : vector<1xi32>
      %reduce_sum3A_127 = vector.multi_reduction <add>, %reduce_sum3A_125, %reduce_sum3A_126 [1, 2] : vector<1x1x8xi32> to vector<1xi32>
      %reduce_sum3A_128 = vector.shape_cast %reduce_sum3A_127 : vector<1xi32> to vector<1x1x1xi32>
      %reduce_sum3A_129 = vector.extract %reduce_sum3A_128[0, 0, 0] : i32 from vector<1x1x1xi32>
      %eq3A_130 = arith.constant 4 : i32
      %eq3A_131 = vector.broadcast %eq3A_130 : i32 to vector<1x8xi32>
      %eq3A_132 = arith.cmpi eq, %iota3A_57, %eq3A_131 : vector<1x8xi32>
      %jit3A_133 = arith.constant 0 : i32
      %broadcast_in_dim3A_134 = vector.broadcast %reduce_sum3A_129 : i32 to vector<1x8xi32>
      %broadcast_in_dim3A_135 = vector.broadcast %jit3A_133 : i32 to vector<1x8xi32>
      %select_n3A_136 = arith.select %eq3A_132, %broadcast_in_dim3A_134, %broadcast_in_dim3A_135 : vector<1x8xi1>, vector<1x8xi32>
      %add3A_137 = arith.addi %add3A_118, %select_n3A_136 : vector<1x8xi32>
      %lt3A_138 = arith.constant 5 : i32
      %lt3A_139 = vector.broadcast %lt3A_138 : i32 to vector<1x8xi32>
      %lt3A_140 = arith.cmpi slt, %iota3A_57, %lt3A_139 : vector<1x8xi32>
      %jit3A_141 = arith.constant 0 : i32
      %broadcast_in_dim3A_142 = vector.broadcast %jit3A_141 : i32 to vector<1x8xi32>
      %select_n3A_143 = arith.select %lt3A_140, %get3A_60, %broadcast_in_dim3A_142 : vector<1x8xi1>, vector<1x8xi32>
      %reduce_sum3A_144 = vector.shape_cast %select_n3A_143 : vector<1x8xi32> to vector<1x1x8xi32>
      %reduce_sum3A_145 = arith.constant dense<0> : vector<1xi32>
      %reduce_sum3A_146 = vector.multi_reduction <add>, %reduce_sum3A_144, %reduce_sum3A_145 [1, 2] : vector<1x1x8xi32> to vector<1xi32>
      %reduce_sum3A_147 = vector.shape_cast %reduce_sum3A_146 : vector<1xi32> to vector<1x1x1xi32>
      %reduce_sum3A_148 = vector.extract %reduce_sum3A_147[0, 0, 0] : i32 from vector<1x1x1xi32>
      %eq3A_149 = arith.constant 5 : i32
      %eq3A_150 = vector.broadcast %eq3A_149 : i32 to vector<1x8xi32>
      %eq3A_151 = arith.cmpi eq, %iota3A_57, %eq3A_150 : vector<1x8xi32>
      %jit3A_152 = arith.constant 0 : i32
      %broadcast_in_dim3A_153 = vector.broadcast %reduce_sum3A_148 : i32 to vector<1x8xi32>
      %broadcast_in_dim3A_154 = vector.broadcast %jit3A_152 : i32 to vector<1x8xi32>
      %select_n3A_155 = arith.select %eq3A_151, %broadcast_in_dim3A_153, %broadcast_in_dim3A_154 : vector<1x8xi1>, vector<1x8xi32>
      %add3A_156 = arith.addi %add3A_137, %select_n3A_155 : vector<1x8xi32>
      %lt3A_157 = arith.constant 6 : i32
      %lt3A_158 = vector.broadcast %lt3A_157 : i32 to vector<1x8xi32>
      %lt3A_159 = arith.cmpi slt, %iota3A_57, %lt3A_158 : vector<1x8xi32>
      %jit3A_160 = arith.constant 0 : i32
      %broadcast_in_dim3A_161 = vector.broadcast %jit3A_160 : i32 to vector<1x8xi32>
      %select_n3A_162 = arith.select %lt3A_159, %get3A_60, %broadcast_in_dim3A_161 : vector<1x8xi1>, vector<1x8xi32>
      %reduce_sum3A_163 = vector.shape_cast %select_n3A_162 : vector<1x8xi32> to vector<1x1x8xi32>
      %reduce_sum3A_164 = arith.constant dense<0> : vector<1xi32>
      %reduce_sum3A_165 = vector.multi_reduction <add>, %reduce_sum3A_163, %reduce_sum3A_164 [1, 2] : vector<1x1x8xi32> to vector<1xi32>
      %reduce_sum3A_166 = vector.shape_cast %reduce_sum3A_165 : vector<1xi32> to vector<1x1x1xi32>
      %reduce_sum3A_167 = vector.extract %reduce_sum3A_166[0, 0, 0] : i32 from vector<1x1x1xi32>
      %eq3A_168 = arith.constant 6 : i32
      %eq3A_169 = vector.broadcast %eq3A_168 : i32 to vector<1x8xi32>
      %eq3A_170 = arith.cmpi eq, %iota3A_57, %eq3A_169 : vector<1x8xi32>
      %jit3A_171 = arith.constant 0 : i32
      %broadcast_in_dim3A_172 = vector.broadcast %reduce_sum3A_167 : i32 to vector<1x8xi32>
      %broadcast_in_dim3A_173 = vector.broadcast %jit3A_171 : i32 to vector<1x8xi32>
      %select_n3A_174 = arith.select %eq3A_170, %broadcast_in_dim3A_172, %broadcast_in_dim3A_173 : vector<1x8xi1>, vector<1x8xi32>
      %add3A_175 = arith.addi %add3A_156, %select_n3A_174 : vector<1x8xi32>
      %lt3A_176 = arith.constant 7 : i32
      %lt3A_177 = vector.broadcast %lt3A_176 : i32 to vector<1x8xi32>
      %lt3A_178 = arith.cmpi slt, %iota3A_57, %lt3A_177 : vector<1x8xi32>
      %jit3A_179 = arith.constant 0 : i32
      %broadcast_in_dim3A_180 = vector.broadcast %jit3A_179 : i32 to vector<1x8xi32>
      %select_n3A_181 = arith.select %lt3A_178, %get3A_60, %broadcast_in_dim3A_180 : vector<1x8xi1>, vector<1x8xi32>
      %reduce_sum3A_182 = vector.shape_cast %select_n3A_181 : vector<1x8xi32> to vector<1x1x8xi32>
      %reduce_sum3A_183 = arith.constant dense<0> : vector<1xi32>
      %reduce_sum3A_184 = vector.multi_reduction <add>, %reduce_sum3A_182, %reduce_sum3A_183 [1, 2] : vector<1x1x8xi32> to vector<1xi32>
      %reduce_sum3A_185 = vector.shape_cast %reduce_sum3A_184 : vector<1xi32> to vector<1x1x1xi32>
      %reduce_sum3A_186 = vector.extract %reduce_sum3A_185[0, 0, 0] : i32 from vector<1x1x1xi32>
      %eq3A_187 = arith.constant 7 : i32
      %eq3A_188 = vector.broadcast %eq3A_187 : i32 to vector<1x8xi32>
      %eq3A_189 = arith.cmpi eq, %iota3A_57, %eq3A_188 : vector<1x8xi32>
      %jit3A_190 = arith.constant 0 : i32
      %broadcast_in_dim3A_191 = vector.broadcast %reduce_sum3A_186 : i32 to vector<1x8xi32>
      %broadcast_in_dim3A_192 = vector.broadcast %jit3A_190 : i32 to vector<1x8xi32>
      %select_n3A_193 = arith.select %eq3A_189, %broadcast_in_dim3A_191, %broadcast_in_dim3A_192 : vector<1x8xi1>, vector<1x8xi32>
      %add3A_194 = arith.addi %add3A_175, %select_n3A_193 : vector<1x8xi32>
      %convert_element_type3A_195 = arith.sitofp %add3A_194 : vector<1x8xi32> to vector<1x8xf32>
      %swap3A_196 = arith.constant 0 : index
      %swap3A_197 = arith.constant 0 : index
      %swap3A_198 = vector.load %arg6[%swap3A_196, %swap3A_197] : memref<1x8xf32, #tpu.memory_space<vmem>>, vector<1x8xf32>
      tpu.vector_store %arg6[%swap3A_196, %swap3A_197], %convert_element_type3A_195 {strides = array<i32>} : memref<1x8xf32, #tpu.memory_space<vmem>>, vector<1x8xf32>,
      %iota3A_199 = tpu.iota {dimensions = array<i32: 0>} : vector<1024x1024xi32>
      %iota3A_200 = tpu.iota {dimensions = array<i32: 1>} : vector<1024x1024xi32>
      %gt3A = arith.cmpi sgt, %iota3A_199, %iota3A_200 : vector<1024x1024xi32>
      %convert_element_type3A_201 = arith.extui %gt3A : vector<1024x1024xi1> to vector<1024x1024xi32>
      %convert_element_type3A_202 = arith.sitofp %convert_element_type3A_201 : vector<1024x1024xi32> to vector<1024x1024xf32>
      %convert_element_type3A_203 = arith.truncf %convert_element_type3A_202 : vector<1024x1024xf32> to vector<1024x1024xbf16>
      %swap3A_204 = arith.constant 0 : index
      %swap3A_205 = arith.constant 0 : index
      %swap3A_206 = vector.load %arg7[%swap3A_204, %swap3A_205] : memref<1024x1024xbf16, #tpu.memory_space<vmem>>, vector<1024x1024xbf16>
      tpu.vector_store %arg7[%swap3A_204, %swap3A_205], %convert_element_type3A_203 {strides = array<i32>} : memref<1024x1024xbf16, #tpu.memory_space<vmem>>, vector<1024x1024xbf16>,
    } else {
    }
    %sub3A = vector.broadcast %broadcast_in_dim3A : vector<1024x1xf32> to vector<1024x8xf32>
    %sub3A_12 = arith.subf %get3A_1, %sub3A : vector<1024x8xf32>
    %exp3A = math.exp %sub3A_12 : vector<1024x8xf32>
    %reduce_sum3A = arith.constant dense<0.000000e+00> : vector<1024xf32>
    %reduce_sum3A_13 = vector.multi_reduction <add>, %exp3A, %reduce_sum3A [1] : vector<1024x8xf32> to vector<1024xf32>
    %broadcast_in_dim3A_14 = vector.shape_cast %reduce_sum3A_13 : vector<1024xf32> to vector<1024x1xf32>
    %div3A = vector.broadcast %broadcast_in_dim3A_14 : vector<1024x1xf32> to vector<1024x8xf32>
    %div3A_15 = arith.divf %exp3A, %div3A : vector<1024x8xf32>
    %swap3A = arith.constant 0 : index
    %swap3A_16 = arith.constant 0 : index
    %swap3A_17 = vector.load %arg3[%swap3A, %swap3A_16] : memref<1024x8xf32, #tpu.memory_space<vmem>>, vector<1024x8xf32>
    tpu.vector_store %arg3[%swap3A, %swap3A_16], %div3A_15 {strides = array<i32>} : memref<1024x8xf32, #tpu.memory_space<vmem>>, vector<1024x8xf32>,
    %convert_element_type3A_18 = arith.extui %eq3A_8 : vector<1024x8xi1> to vector<1024x8xi32>
    %convert_element_type3A_19 = arith.sitofp %convert_element_type3A_18 : vector<1024x8xi32> to vector<1024x8xf32>
    %get3A_20 = arith.constant 0 : index
    %get3A_21 = arith.constant 0 : index
    %get3A_22 = vector.load %arg7[%get3A_20, %get3A_21] : memref<1024x1024xbf16, #tpu.memory_space<vmem>>, vector<1024x1024xbf16>
    %convert_element_type3A_23 = arith.extui %eq3A_8 : vector<1024x8xi1> to vector<1024x8xi32>
    %convert_element_type3A_24 = arith.sitofp %convert_element_type3A_23 : vector<1024x8xi32> to vector<1024x8xf32>
    %convert_element_type3A_25 = arith.truncf %convert_element_type3A_24 : vector<1024x8xf32> to vector<1024x8xbf16>
    %dot_general3A = arith.constant dense<0.000000e+00> : vector<1024x8xf32>
    %dot_general3A_26 = tpu.matmul %get3A_22, %convert_element_type3A_25, %dot_general3A {dimension_numbers = #tpu.dot_dimension_numbers<[1], [0], [0], [1], [0, 0, 1, 1], [], []>, transpose_lhs_hint = false} : vector<1024x1024xbf16>, vector<1024x8xbf16>, vector<1024x8xf32> -> vector<1024x8xf32>
    %get3A_27 = arith.constant 0 : index
    %get3A_28 = arith.constant 0 : index
    %get3A_29 = vector.load %arg6[%get3A_27, %get3A_28] : memref<1x8xf32, #tpu.memory_space<vmem>>, vector<1x8xf32>
    %get3A_30 = arith.constant 0 : index
    %get3A_31 = arith.constant 0 : index
    %get3A_32 = vector.load %arg5[%get3A_30, %get3A_31] : memref<1x8xf32, #tpu.memory_space<vmem>>, vector<1x8xf32>
    %add3A = arith.addf %get3A_29, %get3A_32 : vector<1x8xf32>
    %add3A_33 = vector.broadcast %add3A : vector<1x8xf32> to vector<1024x8xf32>
    %add3A_34 = arith.addf %add3A_33, %dot_general3A_26 : vector<1024x8xf32>
    %mul3A = arith.mulf %convert_element_type3A_19, %add3A_34 : vector<1024x8xf32>
    %reduce_sum3A_35 = arith.constant dense<0.000000e+00> : vector<1024xf32>
    %reduce_sum3A_36 = vector.multi_reduction <add>, %mul3A, %reduce_sum3A_35 [1] : vector<1024x8xf32> to vector<1024xf32>
    %broadcast_in_dim3A_37 = vector.shape_cast %reduce_sum3A_36 : vector<1024xf32> to vector<1024x1xf32>
    %convert_element_type3A_38 = arith.fptosi %broadcast_in_dim3A_37 : vector<1024x1xf32> to vector<1024x1xi32>
    %swap3A_39 = arith.constant 0 : index
    %swap3A_40 = arith.constant 0 : index
    %swap3A_41 = vector.load %arg4[%swap3A_39, %swap3A_40] : memref<1024x1xi32, #tpu.memory_space<vmem>>, vector<1024x1xi32>
    tpu.vector_store %arg4[%swap3A_39, %swap3A_40], %convert_element_type3A_38 {strides = array<i32>} : memref<1024x1xi32, #tpu.memory_space<vmem>>, vector<1024x1xi32>,
    %get3A_42 = arith.constant 0 : index
    %get3A_43 = arith.constant 0 : index
    %get3A_44 = vector.load %arg5[%get3A_42, %get3A_43] : memref<1x8xf32, #tpu.memory_space<vmem>>, vector<1x8xf32>
    %reduce_sum3A_45 = arith.constant dense<0.000000e+00> : vector<8xf32>
    %reduce_sum3A_46 = vector.multi_reduction <add>, %convert_element_type3A_19, %reduce_sum3A_45 [0] : vector<1024x8xf32> to vector<8xf32>
    %broadcast_in_dim3A_47 = vector.shape_cast %reduce_sum3A_46 : vector<8xf32> to vector<1x8xf32>
    %add3A_48 = arith.addf %get3A_44, %broadcast_in_dim3A_47 : vector<1x8xf32>
    %swap3A_49 = arith.constant 0 : index
    %swap3A_50 = arith.constant 0 : index
    %swap3A_51 = vector.load %arg5[%swap3A_49, %swap3A_50] : memref<1x8xf32, #tpu.memory_space<vmem>>, vector<1x8xf32>
    tpu.vector_store %arg5[%swap3A_49, %swap3A_50], %add3A_48 {strides = array<i32>} : memref<1x8xf32, #tpu.memory_space<vmem>>, vector<1x8xf32>,
    return
  }
  func.func @transform_0(%arg0: i32) -> (i32, i32) {
    %c0_i32 = arith.constant 0 : i32
    %c0_i32_0 = arith.constant 0 : i32
    return %arg0, %c0_i32 : i32, i32
  }
  func.func @transform_1(%arg0: i32) -> (i32, i32) {
    %c0_i32 = arith.constant 0 : i32
    %c0_i32_0 = arith.constant 0 : i32
    %c0_i32_1 = arith.constant 0 : i32
    return %c0_i32, %c0_i32_0 : i32, i32
  }
  func.func @transform_2(%arg0: i32) -> (i32, i32) {
    %c0_i32 = arith.constant 0 : i32
    %c0_i32_0 = arith.constant 0 : i32
    return %arg0, %c0_i32 : i32, i32
  }
  func.func @transform_3(%arg0: i32) -> (i32, i32) {
    %c0_i32 = arith.constant 0 : i32
    %c0_i32_0 = arith.constant 0 : i32
    return %arg0, %c0_i32 : i32, i32
  }
}

module attributes {stable_mosaic.version = 14 : i64} {
  func.func @_root_body(%arg0: i32, %arg1: memref<256x1024xf32, #tpu.memory_space<vmem>>, %arg2: memref<1024x1024xf32, #tpu.memory_space<vmem>>, %arg3: memref<1x1024xf32, #tpu.memory_space<vmem>>, %arg4: memref<1024x8xf32, #tpu.memory_space<vmem>>, %arg5: memref<1x8xf32, #tpu.memory_space<vmem>>, %arg6: memref<256x8xf32, #tpu.memory_space<vmem>>, %arg7: memref<1x8xi32, #tpu.memory_space<vmem>>, %arg8: memref<1x8xi32, #tpu.memory_space<vmem>>) attributes {dimension_semantics = [#tpu.dimension_semantics<arbitrary>], iteration_bounds = array<i64: 32>, scalar_prefetch = 0 : i64, scratch_operands = 1 : i64, tpu.core_type = #tpu.core_type<tc>, window_params = [{transform_indices = @transform_0, window_bounds = array<i64: 256, 1024>}, {pipeline_mode = #tpu.pipeline_mode<synchronous>, transform_indices = @transform_1, window_bounds = array<i64: 1024, 1024>}, {pipeline_mode = #tpu.pipeline_mode<synchronous>, transform_indices = @transform_2, window_bounds = array<i64: 1, 1024>}, {pipeline_mode = #tpu.pipeline_mode<synchronous>, transform_indices = @transform_3, window_bounds = array<i64: 1024, 8>}, {pipeline_mode = #tpu.pipeline_mode<synchronous>, transform_indices = @transform_4, window_bounds = array<i64: 1, 8>}, {transform_indices = @transform_5, window_bounds = array<i64: 256, 8>}, {pipeline_mode = #tpu.pipeline_mode<synchronous>, transform_indices = @transform_6, window_bounds = array<i64: 1, 8>}]} {
    %get3A = arith.constant 0 : index
    %get3A_0 = arith.constant 0 : index
    %get3A_1 = vector.load %arg1[%get3A, %get3A_0] : memref<256x1024xf32, #tpu.memory_space<vmem>>, vector<256x1024xf32>
    %get3A_2 = arith.constant 0 : index
    %get3A_3 = arith.constant 0 : index
    %get3A_4 = vector.load %arg2[%get3A_2, %get3A_3] : memref<1024x1024xf32, #tpu.memory_space<vmem>>, vector<1024x1024xf32>
    %dot_general3A = arith.constant dense<0.000000e+00> : vector<256x1024xf32>
    %dot_general3A_5 = tpu.matmul %get3A_1, %get3A_4, %dot_general3A {dimension_numbers = #tpu.dot_dimension_numbers<[1], [0], [0], [1], [0, 0, 1, 1], [], []>, transpose_lhs_hint = false} : vector<256x1024xf32>, vector<1024x1024xf32>, vector<256x1024xf32> -> vector<256x1024xf32>
    %get3A_6 = arith.constant 0 : index
    %get3A_7 = arith.constant 0 : index
    %get3A_8 = vector.load %arg3[%get3A_6, %get3A_7] : memref<1x1024xf32, #tpu.memory_space<vmem>>, vector<1x1024xf32>
    %add3A = vector.broadcast %get3A_8 : vector<1x1024xf32> to vector<256x1024xf32>
    %add3A_9 = arith.addf %dot_general3A_5, %add3A : vector<256x1024xf32>
    %max3A = arith.constant 0.000000e+00 : f32
    %max3A_10 = vector.broadcast %max3A : f32 to vector<256x1024xf32>
    %max3A_11 = arith.maximumf %add3A_9, %max3A_10 : vector<256x1024xf32>
    %get3A_12 = arith.constant 0 : index
    %get3A_13 = arith.constant 0 : index
    %get3A_14 = vector.load %arg4[%get3A_12, %get3A_13] : memref<1024x8xf32, #tpu.memory_space<vmem>>, vector<1024x8xf32>
    %dot_general3A_15 = arith.constant dense<0.000000e+00> : vector<256x8xf32>
    %dot_general3A_16 = tpu.matmul %max3A_11, %get3A_14, %dot_general3A_15 {dimension_numbers = #tpu.dot_dimension_numbers<[1], [0], [0], [1], [0, 0, 1, 1], [], []>, transpose_lhs_hint = false} : vector<256x1024xf32>, vector<1024x8xf32>, vector<256x8xf32> -> vector<256x8xf32>
    %get3A_17 = arith.constant 0 : index
    %get3A_18 = arith.constant 0 : index
    %get3A_19 = vector.load %arg5[%get3A_17, %get3A_18] : memref<1x8xf32, #tpu.memory_space<vmem>>, vector<1x8xf32>
    %add3A_20 = vector.broadcast %get3A_19 : vector<1x8xf32> to vector<256x8xf32>
    %add3A_21 = arith.addf %dot_general3A_16, %add3A_20 : vector<256x8xf32>
    %swap3A = arith.constant 0 : index
    %swap3A_22 = arith.constant 0 : index
    %swap3A_23 = vector.load %arg6[%swap3A, %swap3A_22] : memref<256x8xf32, #tpu.memory_space<vmem>>, vector<256x8xf32>
    tpu.vector_store %arg6[%swap3A, %swap3A_22], %add3A_21 {strides = array<i32>} : memref<256x8xf32, #tpu.memory_space<vmem>>, vector<256x8xf32>,
    %iota3A = tpu.iota {dimensions = array<i32: 1>} : vector<256x8xi32>
    %reduce_max3A = arith.constant dense<0xFF800000> : vector<256xf32>
    %reduce_max3A_24 = vector.multi_reduction <maximumf>, %add3A_21, %reduce_max3A [1] : vector<256x8xf32> to vector<256xf32>
    %broadcast_in_dim3A = vector.shape_cast %reduce_max3A_24 : vector<256xf32> to vector<256x1xf32>
    %eq3A = vector.broadcast %broadcast_in_dim3A : vector<256x1xf32> to vector<256x8xf32>
    %eq3A_25 = arith.cmpf oeq, %add3A_21, %eq3A : vector<256x8xf32>
    %jit3A = arith.constant 8 : i32
    %broadcast_in_dim3A_26 = vector.broadcast %jit3A : i32 to vector<256x8xi32>
    %select_n3A = arith.select %eq3A_25, %iota3A, %broadcast_in_dim3A_26 : vector<256x8xi1>, vector<256x8xi32>
    %reduce_min3A = arith.constant dense<2147483647> : vector<256xi32>
    %reduce_min3A_27 = vector.multi_reduction <minsi>, %select_n3A, %reduce_min3A [1] : vector<256x8xi32> to vector<256xi32>
    %broadcast_in_dim3A_28 = vector.shape_cast %reduce_min3A_27 : vector<256xi32> to vector<256x1xi32>
    %eq3A_29 = vector.broadcast %broadcast_in_dim3A_28 : vector<256x1xi32> to vector<256x8xi32>
    %eq3A_30 = arith.cmpi eq, %iota3A, %eq3A_29 : vector<256x8xi32>
    %eq3A_31 = arith.constant 0 : i32
    %eq3A_32 = arith.cmpi eq, %arg0, %eq3A_31 : i32
    %convert_element_type3A = arith.extui %eq3A_32 : i1 to i32
    %cond3A = arith.constant 0 : i32
    %cond3A_33 = arith.cmpi ne, %convert_element_type3A, %cond3A : i32
    scf.if %cond3A_33 {
      %broadcast_in_dim3A_49 = arith.constant 0 : i32
      %broadcast_in_dim3A_50 = vector.broadcast %broadcast_in_dim3A_49 : i32 to vector<1x8xi32>
      %swap3A_51 = arith.constant 0 : index
      %swap3A_52 = arith.constant 0 : index
      %swap3A_53 = vector.load %arg8[%swap3A_51, %swap3A_52] : memref<1x8xi32, #tpu.memory_space<vmem>>, vector<1x8xi32>
      tpu.vector_store %arg8[%swap3A_51, %swap3A_52], %broadcast_in_dim3A_50 {strides = array<i32>} : memref<1x8xi32, #tpu.memory_space<vmem>>, vector<1x8xi32>,
    } else {
    }
    %get3A_34 = arith.constant 0 : index
    %get3A_35 = arith.constant 0 : index
    %get3A_36 = vector.load %arg8[%get3A_34, %get3A_35] : memref<1x8xi32, #tpu.memory_space<vmem>>, vector<1x8xi32>
    %convert_element_type3A_37 = arith.extui %eq3A_30 : vector<256x8xi1> to vector<256x8xi32>
    %reduce_sum3A = arith.constant dense<0> : vector<8xi32>
    %reduce_sum3A_38 = vector.multi_reduction <add>, %convert_element_type3A_37, %reduce_sum3A [0] : vector<256x8xi32> to vector<8xi32>
    %broadcast_in_dim3A_39 = vector.shape_cast %reduce_sum3A_38 : vector<8xi32> to vector<1x8xi32>
    %add3A_40 = arith.addi %get3A_36, %broadcast_in_dim3A_39 : vector<1x8xi32>
    %swap3A_41 = arith.constant 0 : index
    %swap3A_42 = arith.constant 0 : index
    %swap3A_43 = vector.load %arg8[%swap3A_41, %swap3A_42] : memref<1x8xi32, #tpu.memory_space<vmem>>, vector<1x8xi32>
    tpu.vector_store %arg8[%swap3A_41, %swap3A_42], %add3A_40 {strides = array<i32>} : memref<1x8xi32, #tpu.memory_space<vmem>>, vector<1x8xi32>,
    %eq3A_44 = arith.constant 31 : i32
    %eq3A_45 = arith.cmpi eq, %arg0, %eq3A_44 : i32
    %convert_element_type3A_46 = arith.extui %eq3A_45 : i1 to i32
    %cond3A_47 = arith.constant 0 : i32
    %cond3A_48 = arith.cmpi ne, %convert_element_type3A_46, %cond3A_47 : i32
    scf.if %cond3A_48 {
      %get3A_49 = arith.constant 0 : index
      %get3A_50 = arith.constant 0 : index
      %get3A_51 = vector.load %arg8[%get3A_49, %get3A_50] : memref<1x8xi32, #tpu.memory_space<vmem>>, vector<1x8xi32>
      %swap3A_52 = arith.constant 0 : index
      %swap3A_53 = arith.constant 0 : index
      %swap3A_54 = vector.load %arg7[%swap3A_52, %swap3A_53] : memref<1x8xi32, #tpu.memory_space<vmem>>, vector<1x8xi32>
      tpu.vector_store %arg7[%swap3A_52, %swap3A_53], %get3A_51 {strides = array<i32>} : memref<1x8xi32, #tpu.memory_space<vmem>>, vector<1x8xi32>,
    } else {
    }
    return
  }
  func.func @transform_0(%arg0: i32) -> (i32, i32) {
    %c0_i32 = arith.constant 0 : i32
    %c0_i32_0 = arith.constant 0 : i32
    return %arg0, %c0_i32 : i32, i32
  }
  func.func @transform_1(%arg0: i32) -> (i32, i32) {
    %c0_i32 = arith.constant 0 : i32
    %c0_i32_0 = arith.constant 0 : i32
    %c0_i32_1 = arith.constant 0 : i32
    return %c0_i32, %c0_i32_0 : i32, i32
  }
  func.func @transform_2(%arg0: i32) -> (i32, i32) {
    %c0_i32 = arith.constant 0 : i32
    %c0_i32_0 = arith.constant 0 : i32
    %c0_i32_1 = arith.constant 0 : i32
    return %c0_i32, %c0_i32_0 : i32, i32
  }
  func.func @transform_3(%arg0: i32) -> (i32, i32) {
    %c0_i32 = arith.constant 0 : i32
    %c0_i32_0 = arith.constant 0 : i32
    %c0_i32_1 = arith.constant 0 : i32
    return %c0_i32, %c0_i32_0 : i32, i32
  }
  func.func @transform_4(%arg0: i32) -> (i32, i32) {
    %c0_i32 = arith.constant 0 : i32
    %c0_i32_0 = arith.constant 0 : i32
    %c0_i32_1 = arith.constant 0 : i32
    return %c0_i32, %c0_i32_0 : i32, i32
  }
  func.func @transform_5(%arg0: i32) -> (i32, i32) {
    %c0_i32 = arith.constant 0 : i32
    %c0_i32_0 = arith.constant 0 : i32
    return %arg0, %c0_i32 : i32, i32
  }
  func.func @transform_6(%arg0: i32) -> (i32, i32) {
    %c0_i32 = arith.constant 0 : i32
    %c0_i32_0 = arith.constant 0 : i32
    %c0_i32_1 = arith.constant 0 : i32
    return %c0_i32, %c0_i32_0 : i32, i32
  }
}

module attributes {stable_mosaic.version = 14 : i64} {
  func.func @_leaf_body(%arg0: i32, %arg1: memref<39xi32, #tpu.memory_space<smem>>, %arg2: memref<39xi32, #tpu.memory_space<smem>>, %arg3: memref<39xi32, #tpu.memory_space<smem>>, %arg4: memref<9xi32, #tpu.memory_space<smem>>, %arg5: memref<256x1024xf32, #tpu.memory_space<vmem>>, %arg6: memref<1x1024x1024xf32, #tpu.memory_space<vmem>>, %arg7: memref<1x1x1024xf32, #tpu.memory_space<vmem>>, %arg8: memref<1x1024x8xf32, #tpu.memory_space<vmem>>, %arg9: memref<1x1x8xf32, #tpu.memory_space<vmem>>, %arg10: memref<256x128xf32, #tpu.memory_space<vmem>>) attributes {dimension_semantics = [#tpu.dimension_semantics<arbitrary>], iteration_bounds = array<i64: 39>, scalar_prefetch = 4 : i64, scratch_operands = 0 : i64, tpu.core_type = #tpu.core_type<tc>, window_params = [{transform_indices = @transform_0, window_bounds = array<i64: 256, 1024>}, {transform_indices = @transform_1, window_bounds = array<i64: 1, 1024, 1024>}, {transform_indices = @transform_2, window_bounds = array<i64: 1, 1, 1024>}, {transform_indices = @transform_3, window_bounds = array<i64: 1, 1024, 8>}, {transform_indices = @transform_4, window_bounds = array<i64: 1, 1, 8>}, {transform_indices = @transform_5, window_bounds = array<i64: 256, 128>}]} {
    %get3A = arith.index_cast %arg0 : i32 to index
    %get3A_0 = memref.load %arg1[%get3A] : memref<39xi32, #tpu.memory_space<smem>>
    %sub3A = arith.constant 1 : i32
    %sub3A_1 = arith.subi %arg0, %sub3A : i32
    %max3A = arith.constant 0 : i32
    %max3A_2 = arith.maxsi %sub3A_1, %max3A : i32
    %get3A_3 = arith.index_cast %max3A_2 : i32 to index
    %get3A_4 = memref.load %arg1[%get3A_3] : memref<39xi32, #tpu.memory_space<smem>>
    %eq3A = arith.constant 0 : i32
    %eq3A_5 = arith.cmpi eq, %arg0, %eq3A : i32
    %ne3A = arith.cmpi ne, %get3A_0, %get3A_4 : i32
    %or3A = arith.ori %eq3A_5, %ne3A : i1
    %convert_element_type3A = arith.extui %or3A : i1 to i32
    %cond3A = arith.constant 0 : i32
    %cond3A_6 = arith.cmpi ne, %convert_element_type3A, %cond3A : i32
    scf.if %cond3A_6 {
      %broadcast_in_dim3A_74 = arith.constant 0.000000e+00 : f32
      %broadcast_in_dim3A_75 = vector.broadcast %broadcast_in_dim3A_74 : f32 to vector<256x128xf32>
      %swap3A_76 = arith.constant 0 : index
      %swap3A_77 = arith.constant 0 : index
      %swap3A_78 = vector.load %arg10[%swap3A_76, %swap3A_77] : memref<256x128xf32, #tpu.memory_space<vmem>>, vector<256x128xf32>
      tpu.vector_store %arg10[%swap3A_76, %swap3A_77], %broadcast_in_dim3A_75 {strides = array<i32>} : memref<256x128xf32, #tpu.memory_space<vmem>>, vector<256x128xf32>,
    } else {
    }
    %get3A_7 = arith.index_cast %arg0 : i32 to index
    %get3A_8 = memref.load %arg2[%get3A_7] : memref<39xi32, #tpu.memory_space<smem>>
    %get3A_9 = arith.index_cast %get3A_8 : i32 to index
    %get3A_10 = memref.load %arg4[%get3A_9] : memref<9xi32, #tpu.memory_space<smem>>
    %add3A = arith.constant 1 : i32
    %add3A_11 = arith.addi %get3A_8, %add3A : i32
    %get3A_12 = arith.index_cast %add3A_11 : i32 to index
    %get3A_13 = memref.load %arg4[%get3A_12] : memref<9xi32, #tpu.memory_space<smem>>
    %mul3A = arith.constant 256 : i32
    %mul3A_14 = arith.muli %get3A_0, %mul3A : i32
    %iota3A = tpu.iota {dimensions = array<i32: 0>} : vector<256x1xi32>
    %add3A_15 = vector.broadcast %mul3A_14 : i32 to vector<256x1xi32>
    %add3A_16 = arith.addi %add3A_15, %iota3A : vector<256x1xi32>
    %ge3A = vector.broadcast %get3A_10 : i32 to vector<256x1xi32>
    %ge3A_17 = arith.cmpi sge, %add3A_16, %ge3A : vector<256x1xi32>
    %lt3A = vector.broadcast %get3A_13 : i32 to vector<256x1xi32>
    %lt3A_18 = arith.cmpi slt, %add3A_16, %lt3A : vector<256x1xi32>
    %and3A = arith.andi %ge3A_17, %lt3A_18 : vector<256x1xi1>
    %get3A_19 = arith.index_cast %arg0 : i32 to index
    %get3A_20 = memref.load %arg3[%get3A_19] : memref<39xi32, #tpu.memory_space<smem>>
    %gt3A = arith.constant 0 : i32
    %gt3A_21 = arith.cmpi sgt, %get3A_20, %gt3A : i32
    %and3A_22 = vector.broadcast %gt3A_21 : i1 to vector<256x1xi1>
    %and3A_23 = arith.andi %and3A, %and3A_22 : vector<256x1xi1>
    %get3A_24 = arith.constant 0 : index
    %get3A_25 = arith.constant 0 : index
    %get3A_26 = vector.load %arg5[%get3A_24, %get3A_25] : memref<256x1024xf32, #tpu.memory_space<vmem>>, vector<256x1024xf32>
    %get3A_27 = arith.constant 0 : index
    %get3A_28 = arith.constant 0 : index
    %get3A_29 = arith.constant 0 : index
    %get3A_30 = vector.load %arg6[%get3A_27, %get3A_28, %get3A_29] : memref<1x1024x1024xf32, #tpu.memory_space<vmem>>, vector<1x1024x1024xf32>
    %get3A_31 = vector.shape_cast %get3A_30 : vector<1x1024x1024xf32> to vector<1024x1024xf32>
    %dot_general3A = arith.constant dense<0.000000e+00> : vector<256x1024xf32>
    %dot_general3A_32 = tpu.matmul %get3A_26, %get3A_31, %dot_general3A {dimension_numbers = #tpu.dot_dimension_numbers<[1], [0], [0], [1], [0, 0, 1, 1], [], []>, transpose_lhs_hint = false} : vector<256x1024xf32>, vector<1024x1024xf32>, vector<256x1024xf32> -> vector<256x1024xf32>
    %get3A_33 = arith.constant 0 : index
    %get3A_34 = arith.constant 0 : index
    %get3A_35 = arith.constant 0 : index
    %get3A_36 = vector.load %arg7[%get3A_33, %get3A_34, %get3A_35] : memref<1x1x1024xf32, #tpu.memory_space<vmem>>, vector<1x1x1024xf32>
    %get3A_37 = vector.shape_cast %get3A_36 : vector<1x1x1024xf32> to vector<1x1024xf32>
    %add3A_38 = vector.broadcast %get3A_37 : vector<1x1024xf32> to vector<256x1024xf32>
    %add3A_39 = arith.addf %dot_general3A_32, %add3A_38 : vector<256x1024xf32>
    %max3A_40 = arith.constant 0.000000e+00 : f32
    %max3A_41 = vector.broadcast %max3A_40 : f32 to vector<256x1024xf32>
    %max3A_42 = arith.maximumf %add3A_39, %max3A_41 : vector<256x1024xf32>
    %get3A_43 = arith.constant 0 : index
    %get3A_44 = arith.constant 0 : index
    %get3A_45 = arith.constant 0 : index
    %get3A_46 = vector.load %arg8[%get3A_43, %get3A_44, %get3A_45] : memref<1x1024x8xf32, #tpu.memory_space<vmem>>, vector<1x1024x8xf32>
    %get3A_47 = vector.shape_cast %get3A_46 : vector<1x1024x8xf32> to vector<1024x8xf32>
    %dot_general3A_48 = arith.constant dense<0.000000e+00> : vector<256x8xf32>
    %dot_general3A_49 = tpu.matmul %max3A_42, %get3A_47, %dot_general3A_48 {dimension_numbers = #tpu.dot_dimension_numbers<[1], [0], [0], [1], [0, 0, 1, 1], [], []>, transpose_lhs_hint = false} : vector<256x1024xf32>, vector<1024x8xf32>, vector<256x8xf32> -> vector<256x8xf32>
    %get3A_50 = arith.constant 0 : index
    %get3A_51 = arith.constant 0 : index
    %get3A_52 = arith.constant 0 : index
    %get3A_53 = vector.load %arg9[%get3A_50, %get3A_51, %get3A_52] : memref<1x1x8xf32, #tpu.memory_space<vmem>>, vector<1x1x8xf32>
    %get3A_54 = vector.shape_cast %get3A_53 : vector<1x1x8xf32> to vector<1x8xf32>
    %add3A_55 = vector.broadcast %get3A_54 : vector<1x8xf32> to vector<256x8xf32>
    %add3A_56 = arith.addf %dot_general3A_49, %add3A_55 : vector<256x8xf32>
    %reduce_max3A = arith.constant dense<0xFF800000> : vector<256xf32>
    %reduce_max3A_57 = vector.multi_reduction <maximumf>, %add3A_56, %reduce_max3A [1] : vector<256x8xf32> to vector<256xf32>
    %broadcast_in_dim3A = vector.shape_cast %reduce_max3A_57 : vector<256xf32> to vector<256x1xf32>
    %sub3A_58 = vector.broadcast %broadcast_in_dim3A : vector<256x1xf32> to vector<256x8xf32>
    %sub3A_59 = arith.subf %add3A_56, %sub3A_58 : vector<256x8xf32>
    %exp3A = math.exp %sub3A_59 : vector<256x8xf32>
    %reduce_sum3A = arith.constant dense<0.000000e+00> : vector<256xf32>
    %reduce_sum3A_60 = vector.multi_reduction <add>, %exp3A, %reduce_sum3A [1] : vector<256x8xf32> to vector<256xf32>
    %broadcast_in_dim3A_61 = vector.shape_cast %reduce_sum3A_60 : vector<256xf32> to vector<256x1xf32>
    %div3A = vector.broadcast %broadcast_in_dim3A_61 : vector<256x1xf32> to vector<256x8xf32>
    %div3A_62 = arith.divf %exp3A, %div3A : vector<256x8xf32>
    %broadcast_in_dim3A_63 = arith.constant 0.000000e+00 : f32
    %broadcast_in_dim3A_64 = vector.broadcast %broadcast_in_dim3A_63 : f32 to vector<256x120xf32>
    %get3A_65 = arith.constant 0 : index
    %get3A_66 = arith.constant 0 : index
    %get3A_67 = vector.load %arg10[%get3A_65, %get3A_66] : memref<256x128xf32, #tpu.memory_space<vmem>>, vector<256x128xf32>
    %concatenate3A = tpu.concatenate %div3A_62, %broadcast_in_dim3A_64 in 1 : vector<256x8xf32>, vector<256x120xf32> -> vector<256x128xf32>
    %jit3A = arith.constant 0.000000e+00 : f32
    %broadcast_in_dim3A_68 = vector.shape_cast %and3A_23 : vector<256x1xi1> to vector<256x1xi1>
    %broadcast_in_dim3A_69 = vector.broadcast %broadcast_in_dim3A_68 : vector<256x1xi1> to vector<256x128xi1>
    %broadcast_in_dim3A_70 = vector.broadcast %jit3A : f32 to vector<256x128xf32>
    %select_n3A = arith.select %broadcast_in_dim3A_69, %concatenate3A, %broadcast_in_dim3A_70 : vector<256x128xi1>, vector<256x128xf32>
    %add3A_71 = arith.addf %get3A_67, %select_n3A : vector<256x128xf32>
    %swap3A = arith.constant 0 : index
    %swap3A_72 = arith.constant 0 : index
    %swap3A_73 = vector.load %arg10[%swap3A, %swap3A_72] : memref<256x128xf32, #tpu.memory_space<vmem>>, vector<256x128xf32>
    tpu.vector_store %arg10[%swap3A, %swap3A_72], %add3A_71 {strides = array<i32>} : memref<256x128xf32, #tpu.memory_space<vmem>>, vector<256x128xf32>,
    return
  }
  func.func @transform_0(%arg0: i32, %arg1: memref<39xi32, #tpu.memory_space<smem>>, %arg2: memref<39xi32, #tpu.memory_space<smem>>, %arg3: memref<39xi32, #tpu.memory_space<smem>>, %arg4: memref<9xi32, #tpu.memory_space<smem>>) -> (i32, i32) {
    %get3A = arith.index_cast %arg0 : i32 to index
    %get3A_0 = memref.load %arg1[%get3A] : memref<39xi32, #tpu.memory_space<smem>>
    %c0_i32 = arith.constant 0 : i32
    %c0_i32_1 = arith.constant 0 : i32
    return %get3A_0, %c0_i32 : i32, i32
  }
  func.func @transform_1(%arg0: i32, %arg1: memref<39xi32, #tpu.memory_space<smem>>, %arg2: memref<39xi32, #tpu.memory_space<smem>>, %arg3: memref<39xi32, #tpu.memory_space<smem>>, %arg4: memref<9xi32, #tpu.memory_space<smem>>) -> (i32, i32, i32) {
    %get3A = arith.index_cast %arg0 : i32 to index
    %get3A_0 = memref.load %arg2[%get3A] : memref<39xi32, #tpu.memory_space<smem>>
    %c0_i32 = arith.constant 0 : i32
    %c0_i32_1 = arith.constant 0 : i32
    %c0_i32_2 = arith.constant 0 : i32
    return %get3A_0, %c0_i32, %c0_i32_1 : i32, i32, i32
  }
  func.func @transform_2(%arg0: i32, %arg1: memref<39xi32, #tpu.memory_space<smem>>, %arg2: memref<39xi32, #tpu.memory_space<smem>>, %arg3: memref<39xi32, #tpu.memory_space<smem>>, %arg4: memref<9xi32, #tpu.memory_space<smem>>) -> (i32, i32, i32) {
    %get3A = arith.index_cast %arg0 : i32 to index
    %get3A_0 = memref.load %arg2[%get3A] : memref<39xi32, #tpu.memory_space<smem>>
    %c0_i32 = arith.constant 0 : i32
    %c0_i32_1 = arith.constant 0 : i32
    %c0_i32_2 = arith.constant 0 : i32
    return %get3A_0, %c0_i32, %c0_i32_1 : i32, i32, i32
  }
  func.func @transform_3(%arg0: i32, %arg1: memref<39xi32, #tpu.memory_space<smem>>, %arg2: memref<39xi32, #tpu.memory_space<smem>>, %arg3: memref<39xi32, #tpu.memory_space<smem>>, %arg4: memref<9xi32, #tpu.memory_space<smem>>) -> (i32, i32, i32) {
    %get3A = arith.index_cast %arg0 : i32 to index
    %get3A_0 = memref.load %arg2[%get3A] : memref<39xi32, #tpu.memory_space<smem>>
    %c0_i32 = arith.constant 0 : i32
    %c0_i32_1 = arith.constant 0 : i32
    %c0_i32_2 = arith.constant 0 : i32
    return %get3A_0, %c0_i32, %c0_i32_1 : i32, i32, i32
  }
  func.func @transform_4(%arg0: i32, %arg1: memref<39xi32, #tpu.memory_space<smem>>, %arg2: memref<39xi32, #tpu.memory_space<smem>>, %arg3: memref<39xi32, #tpu.memory_space<smem>>, %arg4: memref<9xi32, #tpu.memory_space<smem>>) -> (i32, i32, i32) {
    %get3A = arith.index_cast %arg0 : i32 to index
    %get3A_0 = memref.load %arg2[%get3A] : memref<39xi32, #tpu.memory_space<smem>>
    %c0_i32 = arith.constant 0 : i32
    %c0_i32_1 = arith.constant 0 : i32
    %c0_i32_2 = arith.constant 0 : i32
    return %get3A_0, %c0_i32, %c0_i32_1 : i32, i32, i32
  }
  func.func @transform_5(%arg0: i32, %arg1: memref<39xi32, #tpu.memory_space<smem>>, %arg2: memref<39xi32, #tpu.memory_space<smem>>, %arg3: memref<39xi32, #tpu.memory_space<smem>>, %arg4: memref<9xi32, #tpu.memory_space<smem>>) -> (i32, i32) {
    %get3A = arith.index_cast %arg0 : i32 to index
    %get3A_0 = memref.load %arg1[%get3A] : memref<39xi32, #tpu.memory_space<smem>>
    %c0_i32 = arith.constant 0 : i32
    %c0_i32_1 = arith.constant 0 : i32
    return %get3A_0, %c0_i32 : i32, i32
  }
}

</mosaic_0001>

<sc_bundles>
// kernel: kernel.10.cloned.1.call-start
scs
__scs_entry_jumppad:
0x0: {  	(pc) =	sbr.rel $0x88, $3  }
0x1: {  	(tag) =	ssettag $0x0;
	lr =	simm.s32 $0x1  }
0x2: {  	[smem:$0x3F98] =	sst lr;
	_ =	strace $0xD0000000  }
0x3: {  	_ = 	snop  }
0x4: {  	_ = 	snop  }
0x5: {  	_ = 	snop  }
0x6: {  	_ = 	snop  }
0x7: {  	_ = 	snop  }
__scs_overlays_trampoline_lowered:
0x8: {  	[smem:$0x3FA7] =	sst s0  }
0x9: {  	[smem:$0x3FA8] =	sst s1  }
0xa: {  	[smem:$0x3FA9] =	sst s2  }
0xb: {  	[smem:$0x3FAA] =	sst s3  }
0xc: {  	[smem:$0x3FAB] =	sst s4  }
0xd: {  	[smem:$0x3FAC] =	sst s5  }
0xe: {  	[smem:$0x3FAD] =	sst s6  }
0xf: {  	[smem:$0x3FAE] =	sst s7  }
0x10: {  	[smem:$0x3FAF] =	sst s8  }
0x11: {  	[smem:$0x3FB0] =	sst s9;
	s0 =	simm.s32 @!p0 $0x0  }
0x12: {  	s1 =	sld [smem:$0x3F96];
	s0 =	simm.s32 @p0 $0x1  }
0x13: {  	[smem:$0x3FB1] =	sst s0;
	s0 =	simm.s32 @!p1 $0x0  }
0x14: {  	s2 =	sld [smem:$0x3F95];
	s0 =	simm.s32 @p1 $0x1  }
0x15: {  	[smem:$0x3FB2] =	sst s0;
	s0 =	simm.s32 @!p2 $0x0  }
0x16: {  	s3 =	sld [smem:$0x3FDB];
	s0 =	simm.s32 @p2 $0x1  }
0x17: {  	s4 =	simm.s32 $0x1BF5;
	[smem:$0x3FB4] =	sst s0  }
0x18: {  	s0 =	sld [smem:$0x3F97];
	_ =	swait.ge [sflag:s4], $0x0  }
0x19: {  	s7 =	sld [smem:$0x3F98]  }
0x1a: {  	s8 =	sadd.s32 $0xFFFFE003, lr  }
0x1b: {  	s9 =	sadd.s32 $0xFFFFFEF7, lr;
	s5 =	simm.s32 $0xFFFFFFFF;
	p2 =	slt.u32 s8, $0xFFFFF086  }
0x1c: {  	p1 =	slt.u32 s9, $0xF7A;
	s5 =	simm.s32 @!p2 $0x0  }
0x1d: {  	s5 =	simm.s32 @p1 $0x1;
	p0 =	seq.s32 s7, s2  }
0x1e: {  	s7 =	smul.u32 @!p0 $0xF7A, s2;
	p2 =	seq.s32 @!p0 s5, $0x0  }
0x1f: {  	s9 =	smul.u32 $0xF7A, s1;
	s8 =	simm.s32 @!p0 $0x1BF5;
	p2 =	por !p2, p0  }
0x20: {  	[sflag:s8] =	ssyncset.s32 @!p0 $0xFFFFF086;
	s6 =	sadd.s32 @!p0 s3, s7;
	s7 =	simm.s32 @!p0 $0x108  }
0x21: {  	s3 =	sadd.s32 s3, s9;
	s6 =	sadd.s32 @!p0 $0x88, s6;
	s7 =	simm.s32 @p2 $0x1082  }
0x22: {  	[simem:s7], [sflag:s8] =	dma.local @!p0 [hbm:s6], $0xF7A  }
0x23: {  	s9 =	sor.u32 $0xD0000000, s2;
	s6 =	simm.s32 $0x108;
	_ =	swait.ge @!p0 [sflag:s8], $0x0  }
0x24: {  	s3 =	sadd.s32 $0x88, s3;
	s6 =	simm.s32 @!p1 $0x1082;
	[sflag:s4] =	ssyncset.s32 $0xFFFFF086  }
0x25: {  	[simem:s6], [sflag:s4] =	dma.local [hbm:s3], $0xF7A  }
0x26: {  	[smem:$0x3F98] =	sst s1;
	(tag) =	ssettag s2;
	_ =	strace s9  }
0x27: {  	s1 =	sld [smem:$0x3FA8]  }
0x28: {  	s2 =	sld [smem:$0x3FA9]  }
0x29: {  	s4 =	sld [smem:$0x3FAB]  }
0x2a: {  	p0 =	seq.s32 s5, $0x0;
	s5 =	sld [smem:$0x3FAC]  }
0x2b: {  	s6 =	sld [smem:$0x3FAD]  }
0x2c: {  	s7 =	sld [smem:$0x3FAE]  }
0x2d: {  	s3 =	simm.s32 $0x108;
	s8 =	sld [smem:$0x3FAF]  }
0x2e: {  	s3 =	simm.s32 @!p0 $0x1082;
	s9 =	sld [smem:$0x3FB0]  }
0x2f: {  	lr =	sadd.s32 s0, s3;
	s0 =	sld [smem:$0x3FA7]  }
0x30: {  	s3 =	sld [smem:$0x3FAA]  }
0x31: {  	[smem:$0x3FB3] =	sst s10  }
0x32: {  	s10 =	sld [smem:$0x3FB1];
	_ =	sdelay $0x3  }
0x33: {  	p0 =	seq.s32 s10, $0x1;
	s10 =	sld [smem:$0x3FB3];
	_ =	sdelay $0x3  }
0x34: {  	[smem:$0x3FB3] =	sst s10  }
0x35: {  	s10 =	sld [smem:$0x3FB2];
	_ =	sdelay $0x3  }
0x36: {  	p1 =	seq.s32 s10, $0x1;
	s10 =	sld [smem:$0x3FB3];
	_ =	sdelay $0x3  }
0x37: {  	[smem:$0x3FB3] =	sst s10  }
0x38: {  	s10 =	sld [smem:$0x3FB4]  }
0x39: {  	_ = 	snop;
	(pc) =	sbr.ind lr, $3  }
0x3a: {  	_ = 	snop  }
0x3b: {  	_ = 	snop  }
0x3c: {  	p2 =	seq.s32 s10, $0x1;
	s10 =	sld [smem:$0x3FB3]  }
0x3d: {  	_ =	shalt  }
0x3e: {  	_ =	shalt  }
0x3f: {  	_ =	shalt  }
0x40: {  	_ =	shalt  }
0x41: {  	_ =	shalt  }
0x42: {  	_ =	shalt  }
0x43: {  	_ =	shalt  }
0x44: {  	_ =	shalt  }
0x45: {  	_ =	shalt  }
0x46: {  	_ =	shalt  }
0x47: {  	_ =	shalt  }
0x48: {  	_ =	shalt  }
0x49: {  	_ =	shalt  }
0x4a: {  	_ =	shalt  }
0x4b: {  	_ =	shalt  }
0x4c: {  	_ =	shalt  }
0x4d: {  	_ =	shalt  }
0x4e: {  	_ =	shalt  }
0x4f: {  	_ =	shalt  }
0x50: {  	_ =	shalt  }
0x51: {  	_ =	shalt  }
0x52: {  	_ =	shalt  }
0x53: {  	_ =	shalt  }
0x54: {  	_ =	shalt  }
0x55: {  	_ =	shalt  }
0x56: {  	_ =	shalt  }
0x57: {  	_ =	shalt  }
0x58: {  	_ =	shalt  }
0x59: {  	_ =	shalt  }
0x5a: {  	_ =	shalt  }
0x5b: {  	_ =	shalt  }
0x5c: {  	_ =	shalt  }
0x5d: {  	_ =	shalt  }
0x5e: {  	_ =	shalt  }
0x5f: {  	_ =	shalt  }
0x60: {  	_ =	shalt  }
0x61: {  	_ =	shalt  }
0x62: {  	_ =	shalt  }
0x63: {  	_ =	shalt  }
0x64: {  	_ =	shalt  }
0x65: {  	_ =	shalt  }
0x66: {  	_ =	shalt  }
0x67: {  	_ =	shalt  }
0x68: {  	_ =	shalt  }
0x69: {  	_ =	shalt  }
0x6a: {  	_ =	shalt  }
0x6b: {  	_ =	shalt  }
0x6c: {  	_ =	shalt  }
0x6d: {  	_ =	shalt  }
0x6e: {  	_ =	shalt  }
0x6f: {  	_ =	shalt  }
0x70: {  	_ =	shalt  }
0x71: {  	_ =	shalt  }
0x72: {  	_ =	shalt  }
0x73: {  	_ =	shalt  }
0x74: {  	_ =	shalt  }
0x75: {  	_ =	shalt  }
0x76: {  	_ =	shalt  }
0x77: {  	_ =	shalt  }
0x78: {  	_ =	shalt  }
0x79: {  	_ =	shalt  }
0x7a: {  	_ =	shalt  }
0x7b: {  	_ =	shalt  }
0x7c: {  	_ =	shalt  }
0x7d: {  	_ =	shalt  }
0x7e: {  	_ =	shalt  }
0x7f: {  	_ =	shalt  }
0x80: {  	_ =	shalt  }
0x81: {  	_ =	shalt  }
0x82: {  	_ =	shalt  }
0x83: {  	_ =	shalt  }
0x84: {  	_ =	shalt  }
0x85: {  	_ =	shalt  }
0x86: {  	_ =	shalt  }
0x87: {  	_ =	shalt  }
.Lfunc_end0:
.L_simem_size_0:
called_computation.1_lowered:
.L_overlay_start_0:
0x88: {  	s2 =	sld [smem:$0x3FD9]  }
0x89: {  	s3 =	sld [smem:$0x3FFE];
	_ =	sdelay $0x1  }
0x8a: {  	s1 =	srdreg.scid  }
0x8b: {  	s0 =	sand.u32 $0x1, s1  }
0x8c: {  	s17 =	sshll.u32 s0, $0xA;
	s2 =	sadd.s32 s3, s2  }
0x8d: {  	s2 =	sadd.s32 s2, s17  }
0x8e: {  	[smem:$0x3FBF] =	sst s2  }
0x8f: {  	_ = 	snop  }
0x90: {  	s2 =	sld [smem:$0x3FD0];
	(tm) =	ssettm $0x1  }
0x91: {  	s18 =	sld [smem:$0x3FFB];
	_ =	sdelay $0x3  }
0x92: {  	_ =	strace s18  }
0x93: {  	s3 =	sld [smem:$0x3FFC];
	_ =	sdelay $0x3  }
0x94: {  	_ =	strace s3  }
0x95: {  	s3 =	sld [smem:$0x3FFD];
	_ =	sdelay $0x3  }
0x96: {  	_ =	strace s3  }
0x97: {  	_ =	strace $0x8FFFFFFF  }
0x98: {  	s19 =	sld [smem:$0x3FDB];
	_ =	sdelay $0x1  }
0x99: {  	s4 =	simm.s32 $_scs_section_size  }
0x9a: {  	s5 =	simm.s32 $_size__tile_overlayer_lowered;
	s6 =	simm.s32 $_tile_overlayer_lowered  }
0x9b: {  	s22 =	simm.s32 $0x1BFF;
	s21 =	sshll.u32 s6, $0x1;
	s3 =	sadd.s32 s4, s19  }
0x9c: {  	s7 =	simm.s32 $0x0;
	s20 =	sshll.u32 s5, $0x1;
	s5 =	sadd.s32 s21, s3  }
0x9d: {  	[timem:s7], [sflag:s22] =	dma.local [hbm:s5], s20  }
0x9e: {  	_ =	swait.ge [sflag:s22], s20  }
0x9f: {  	s4 =	ssub.s32 $0x0, s20;
	[sflag:s22] =	ssyncset.done $0x0  }
0xa0: {  	[sflag:s22] =	ssyncadd.s32 s4;
	_ =	sdelay $0x1  }
0xa1: {  	s23 =	simm.s32 $0x1B8B  }
0xa2: {  	_ =	swait.ge [sflag:s23], $0x1  }
0xa3: {  	[sflag:s23] =	ssyncset.done $0x0  }
0xa4: {  	s25 =	simm.s32 $0x1B8E;
	s24 =	sld [smem:$0x3FFE];
	[sflag:s23] =	ssyncadd.s32 $0xFFFFFFFF  }
0xa5: {  	s26 =	simm.s32 $execute0_lowered;
	[smem:$0x3FD2] =	sst s25  }
0xa6: {  	s5 =	sshll.u32 s26, $0x1;
	_ =	strace $0x80000049;
	[dreg:$0x1] =	wrdreg $0xFFFFFFFF  }
0xa7: {  	s28 =	simm.s32 $_size_execute0_lowered;
	s3 =	sadd.s32 s3, s5;
	[dreg:$0x0] =	wrdreg $0x0  }
0xa8: {  	s5 =	sshll.u32 s28, $0x1;
	[dreg:$0x2] =	wrdreg s3  }
0xa9: {  	[dreg:$0x3] =	wrdreg s5  }
0xaa: {  	[dreg:$0x4] =	wrdreg $0xC0  }
0xab: {  	_ =	task [dreg:s7], $0x5FFFF  }
0xac: {  	[dreg:$0x1] =	wrdreg $0xFFFFFFFF  }
0xad: {  	[dreg:$0x0] =	wrdreg $0x60  }
0xae: {  	[dreg:$0x2] =	wrdreg s24  }
0xaf: {  	[dreg:$0x3] =	wrdreg s2  }
0xb0: {  	[dreg:$0x4] =	wrdreg $0x9  }
0xb1: {  	_ =	task.clear_ibuf [dreg:s7], $0x5FFFF;
	_ =	strace $0x90000049  }
0xb2: {  	s29 =	simm.s32 $0x9;
	_ =	strace $0x8000004B  }
0xb3: {  	_ =	swait.ge [sflag:s29], $0x1  }
0xb4: {  	[sflag:s29] =	ssyncadd.s32 $0xFFFFFFFF  }
0xb5: {  	_ =	strace $0x9000004B  }
0xb6: {  	_ =	sfence  }
0xb7: {  	s30 =	sld [smem:$0x0];
	_ =	sdelay $0x2  }
0xb8: {  	s31 =	sshll.u32 s1, $0xD;
	s1 =	sshrl.u32 s1, $0x2  }
0xb9: {  	s3 =	sand.u32 $0x4000, s31;
	s1 =	sadd.s32 s1, s30  }
0xba: {  	s0 =	sor.u32 s3, s0;
	s1 =	sshll.u32 s1, $0x11  }
0xbb: {  	s0 =	sor.u32 s1, s0  }
0xbc: {  	s0 =	sadd.s32 $0x8F2B, s0  }
0xbd: {  	[sflag:s0] =	ssyncadd.remote.s32 $0x1  }
0xbe: {  	_ =	sfence.sel $0xFFFF  }
0xbf: {  	[dreg:$0x0] =	wrdreg $0xFFFFFFFF;
	(pc) =	sbr.abs _section_cstart, $3  }
0xc0: {  	[dreg:$0x1] =	wrdreg $0xFFFFFFFF  }
0xc1: {  	_ =	task.clear_ibuf [dreg:s7], $0x2FFFF;
	_ =	strace $0x9FFFFFFF  }
0xc2: {  	(tm) =	ssettm $0x7FFFFFFF  }
0xc3: {  	_ =	shalt  }
tec
execute0_lowered:
.L_overlay_start_1:
0x0: {  	(tag) =	ssettag $0x1  }
0x1: {  	s1 =	srdreg.scid;
	s7 =	rddreg [dreg:$0x0]  }
0x2: {  	s0 =	stileid.u32;
	s3 =	rddreg [dreg:$0x1];
	s5 =	sand.u32 $0x1, s1  }
0x3: {  	s2 =	simm.s32 $0x0;
	s4 =	sshll.u32 s0, $0x9;
	s6 =	sshll.u32 s5, $0x8  }
0x4: {  	[smem:$0x7FF] =	sst s2;
	s6 =	sor.u32 s6, s4  }
0x5: {  	s1 =	rddreg [dreg:$0x2];
	_ =	strace $0x8000004A;
	s4 =	sshrl.u32 s6, $0x3  }
0x6: {  	s8 =	ssub.s32 $0x2, s5;
	s3 =	sadd.s32 s3, s4;
	s4 =	simm.s32 $0x2  }
0x7: {  	[tilespmem:s2], [sflag:$0x2] =	stream.linear.gather [hbm4b:s3+s2], $0x100, $0x38;
	[tilespmem:$0x8100] =	vst v63  }
0x8: {  	s9 =	sshrl.u32 s8, $0x1;
	s31 =	sshll.u32 s6, $0x4;
	_ =	swait.ge [sflag:s4], $0x100  }
0x9: {  	s6 =	simm.s32 $0x100;
	s8 =	ssub.s32 s8, s9;
	[sflag:s4] =	ssyncset.done $0x0  }
0xa: {  	s5 =	sadd.s32 s7, s31;
	s9 =	smax.u32 s8, $0x1;
	[sflag:s4] =	ssyncadd.s32 $0xFFFFFF00  }
0xb: {  	[tilespmem:s6], [sflag:$0x2] =	stream.linear.gather [hbm4b:s5+s2], $0x8000, $0x38;
	[tilespmem:$0x8100] =	vst v63  }
0xc: {  	p0 =	sne.s32 s9, $0x1;
	_ =	swait.ge [sflag:s4], $0x8000  }
.Ltmp0:
0xd: {  	[sflag:s4] =	ssyncset.done $0x0;
	(pc) =	sbr.rel @!p0 .LBB2_2-.Ltmp0, $4  }
0xe: {  	s7 =	sadd.s32 $0x20000, s7;
	s8 =	simm.s32 $0x1;
	[sflag:s4] =	ssyncadd.s32 $0xFFFF8000  }
0xf: {  	[hbm4b:s7+s6] =	stream.indirect.scatter [tilespmem:s6], [sflag:$0x1], $0x80, s2, s6, $0xb8;
	[tilespmem:$0x8100] =	vst v63  }
0x10: {  	_ =	swait.ge [sflag:s8], $0x8000  }
0x11: {  	s9 =	sadd.s32 $0xFFFFFFFF, s9;
	[sflag:s8] =	ssyncset.done $0x0  }
.LBB2_1:
0x12: {  	p0 =	sne.s32 s9, $0x1;
	s9 =	sadd.s32 $0xFFFFFFFF, s9;
	[sflag:s8] =	ssyncadd.s32 $0xFFFF8000  }
0x13: {  	[tilespmem:s2], [sflag:$0x2] =	stream.linear.gather [hbm4b:s3+s2], $0x100, $0x38;
	[tilespmem:$0x8100] =	vst v63  }
0x14: {  	_ =	swait.ge [sflag:s4], $0x100  }
0x15: {  	[sflag:s4] =	ssyncset.done $0x0  }
0x16: {  	[sflag:s4] =	ssyncadd.s32 $0xFFFFFF00  }
0x17: {  	[tilespmem:s6], [sflag:$0x2] =	stream.linear.gather [hbm4b:s5+s2], $0x8000, $0x38;
	[tilespmem:$0x8100] =	vst v63  }
0x18: {  	_ =	swait.ge [sflag:s4], $0x8000  }
.Ltmp1:
0x19: {  	[sflag:s4] =	ssyncset.done $0x0;
	(pc) =	sbr.rel @p0 .LBB2_1-.Ltmp1, $4  }
0x1a: {  	[sflag:s4] =	ssyncadd.s32 $0xFFFF8000  }
0x1b: {  	[hbm4b:s7+s6] =	stream.indirect.scatter [tilespmem:s6], [sflag:$0x1], $0x80, s2, s6, $0xb8;
	[tilespmem:$0x8100] =	vst v63  }
0x1c: {  	_ =	swait.ge [sflag:s8], $0x8000  }
0x1d: {  	[sflag:s8] =	ssyncset.done $0x0  }
.LBB2_2:
0x1e: {  	[sflag:s8] =	ssyncadd.s32 $0xFFFF8000  }
0x1f: {  	_ =	sfence.sel $0x180000  }
0x20: {  	[bflag:$0x0] =	sbarrier.arrive $0xFFFF  }
0x21: {  	p0 =	sne.s32 s0, $0x0;
	_ =	strace $0x9000004A  }
0x22: {  	s0 =	sadd.s32 @!p0 $0x100000, s1;
	[bflag:$0x2] =	sbarrier.arrive $0xFFFF  }
0x23: {  	[sflag:s0] =	ssyncadd.tile.s32 @!p0 $0x1;
	_ =	shalt  }
.Lfunc_end2:
_tile_overlayer_lowered:
.L_overlay_start_2:
0x24: {  	(tag) =	ssettag $0x2  }
0x25: {  	s0 =	rddreg [dreg:$0x0];
	s2 =	stileid.u32  }
0x26: {  	s1 =	rddreg [dreg:$0x1];
	p0 =	sne.s32 s2, $0x0  }
0x27: {  	s3 =	rddreg [dreg:$0x2];
	[bflag:$0x3] =	sbarrier.arrive $0xFFFF;
	s2 =	simm.s32 @!p0 $0x1C02  }
0x28: {  	[timem:s3], [sflag:s2] =	dma.local @!p0 [hbm:s0], s1  }
0x29: {  	s0 =	simm.s32 @!p0 $0x2  }
0x2a: {  	_ =	swait.ge @!p0 [sflag:s0], s1  }
0x2b: {  	s1 =	ssub.s32 @!p0 $0x0, s1;
	[sflag:s0] =	ssyncset.done @!p0 $0x0  }
0x2c: {  	[sflag:s0] =	ssyncadd.s32 @!p0 s1  }
0x2d: {  	[bflag:$0x3] =	sbarrier.arrive $0xFFFF  }
0x2e: {  	_ =	shalt  }

// kernel: kernel.7.cloned.1.call-start
scs
__scs_entry_jumppad:
0x0: {  	(pc) =	sbr.rel $0x88, $3  }
0x1: {  	(tag) =	ssettag $0x0;
	lr =	simm.s32 $0x1  }
0x2: {  	[smem:$0x3F98] =	sst lr;
	_ =	strace $0xD0000000  }
0x3: {  	_ = 	snop  }
0x4: {  	_ = 	snop  }
0x5: {  	_ = 	snop  }
0x6: {  	_ = 	snop  }
0x7: {  	_ = 	snop  }
__scs_overlays_trampoline_lowered:
0x8: {  	[smem:$0x3FA7] =	sst s0  }
0x9: {  	[smem:$0x3FA8] =	sst s1  }
0xa: {  	[smem:$0x3FA9] =	sst s2  }
0xb: {  	[smem:$0x3FAA] =	sst s3  }
0xc: {  	[smem:$0x3FAB] =	sst s4  }
0xd: {  	[smem:$0x3FAC] =	sst s5  }
0xe: {  	[smem:$0x3FAD] =	sst s6  }
0xf: {  	[smem:$0x3FAE] =	sst s7  }
0x10: {  	[smem:$0x3FAF] =	sst s8  }
0x11: {  	[smem:$0x3FB0] =	sst s9;
	s0 =	simm.s32 @!p0 $0x0  }
0x12: {  	s1 =	sld [smem:$0x3F96];
	s0 =	simm.s32 @p0 $0x1  }
0x13: {  	[smem:$0x3FB1] =	sst s0;
	s0 =	simm.s32 @!p1 $0x0  }
0x14: {  	s2 =	sld [smem:$0x3F95];
	s0 =	simm.s32 @p1 $0x1  }
0x15: {  	[smem:$0x3FB2] =	sst s0;
	s0 =	simm.s32 @!p2 $0x0  }
0x16: {  	s3 =	sld [smem:$0x3FDB];
	s0 =	simm.s32 @p2 $0x1  }
0x17: {  	s4 =	simm.s32 $0x1BF5;
	[smem:$0x3FB4] =	sst s0  }
0x18: {  	s0 =	sld [smem:$0x3F97];
	_ =	swait.ge [sflag:s4], $0x0  }
0x19: {  	s7 =	sld [smem:$0x3F98]  }
0x1a: {  	s8 =	sadd.s32 $0xFFFFE003, lr  }
0x1b: {  	s9 =	sadd.s32 $0xFFFFFEF7, lr;
	s5 =	simm.s32 $0xFFFFFFFF;
	p2 =	slt.u32 s8, $0xFFFFF086  }
0x1c: {  	p1 =	slt.u32 s9, $0xF7A;
	s5 =	simm.s32 @!p2 $0x0  }
0x1d: {  	s5 =	simm.s32 @p1 $0x1;
	p0 =	seq.s32 s7, s2  }
0x1e: {  	s7 =	smul.u32 @!p0 $0xF7A, s2;
	p2 =	seq.s32 @!p0 s5, $0x0  }
0x1f: {  	s9 =	smul.u32 $0xF7A, s1;
	s8 =	simm.s32 @!p0 $0x1BF5;
	p2 =	por !p2, p0  }
0x20: {  	[sflag:s8] =	ssyncset.s32 @!p0 $0xFFFFF086;
	s6 =	sadd.s32 @!p0 s3, s7;
	s7 =	simm.s32 @!p0 $0x108  }
0x21: {  	s3 =	sadd.s32 s3, s9;
	s6 =	sadd.s32 @!p0 $0x88, s6;
	s7 =	simm.s32 @p2 $0x1082  }
0x22: {  	[simem:s7], [sflag:s8] =	dma.local @!p0 [hbm:s6], $0xF7A  }
0x23: {  	s9 =	sor.u32 $0xD0000000, s2;
	s6 =	simm.s32 $0x108;
	_ =	swait.ge @!p0 [sflag:s8], $0x0  }
0x24: {  	s3 =	sadd.s32 $0x88, s3;
	s6 =	simm.s32 @!p1 $0x1082;
	[sflag:s4] =	ssyncset.s32 $0xFFFFF086  }
0x25: {  	[simem:s6], [sflag:s4] =	dma.local [hbm:s3], $0xF7A  }
0x26: {  	[smem:$0x3F98] =	sst s1;
	(tag) =	ssettag s2;
	_ =	strace s9  }
0x27: {  	s1 =	sld [smem:$0x3FA8]  }
0x28: {  	s2 =	sld [smem:$0x3FA9]  }
0x29: {  	s4 =	sld [smem:$0x3FAB]  }
0x2a: {  	p0 =	seq.s32 s5, $0x0;
	s5 =	sld [smem:$0x3FAC]  }
0x2b: {  	s6 =	sld [smem:$0x3FAD]  }
0x2c: {  	s7 =	sld [smem:$0x3FAE]  }
0x2d: {  	s3 =	simm.s32 $0x108;
	s8 =	sld [smem:$0x3FAF]  }
0x2e: {  	s3 =	simm.s32 @!p0 $0x1082;
	s9 =	sld [smem:$0x3FB0]  }
0x2f: {  	lr =	sadd.s32 s0, s3;
	s0 =	sld [smem:$0x3FA7]  }
0x30: {  	s3 =	sld [smem:$0x3FAA]  }
0x31: {  	[smem:$0x3FB3] =	sst s10  }
0x32: {  	s10 =	sld [smem:$0x3FB1];
	_ =	sdelay $0x3  }
0x33: {  	p0 =	seq.s32 s10, $0x1;
	s10 =	sld [smem:$0x3FB3];
	_ =	sdelay $0x3  }
0x34: {  	[smem:$0x3FB3] =	sst s10  }
0x35: {  	s10 =	sld [smem:$0x3FB2];
	_ =	sdelay $0x3  }
0x36: {  	p1 =	seq.s32 s10, $0x1;
	s10 =	sld [smem:$0x3FB3];
	_ =	sdelay $0x3  }
0x37: {  	[smem:$0x3FB3] =	sst s10  }
0x38: {  	s10 =	sld [smem:$0x3FB4]  }
0x39: {  	_ = 	snop;
	(pc) =	sbr.ind lr, $3  }
0x3a: {  	_ = 	snop  }
0x3b: {  	_ = 	snop  }
0x3c: {  	p2 =	seq.s32 s10, $0x1;
	s10 =	sld [smem:$0x3FB3]  }
0x3d: {  	_ =	shalt  }
0x3e: {  	_ =	shalt  }
0x3f: {  	_ =	shalt  }
0x40: {  	_ =	shalt  }
0x41: {  	_ =	shalt  }
0x42: {  	_ =	shalt  }
0x43: {  	_ =	shalt  }
0x44: {  	_ =	shalt  }
0x45: {  	_ =	shalt  }
0x46: {  	_ =	shalt  }
0x47: {  	_ =	shalt  }
0x48: {  	_ =	shalt  }
0x49: {  	_ =	shalt  }
0x4a: {  	_ =	shalt  }
0x4b: {  	_ =	shalt  }
0x4c: {  	_ =	shalt  }
0x4d: {  	_ =	shalt  }
0x4e: {  	_ =	shalt  }
0x4f: {  	_ =	shalt  }
0x50: {  	_ =	shalt  }
0x51: {  	_ =	shalt  }
0x52: {  	_ =	shalt  }
0x53: {  	_ =	shalt  }
0x54: {  	_ =	shalt  }
0x55: {  	_ =	shalt  }
0x56: {  	_ =	shalt  }
0x57: {  	_ =	shalt  }
0x58: {  	_ =	shalt  }
0x59: {  	_ =	shalt  }
0x5a: {  	_ =	shalt  }
0x5b: {  	_ =	shalt  }
0x5c: {  	_ =	shalt  }
0x5d: {  	_ =	shalt  }
0x5e: {  	_ =	shalt  }
0x5f: {  	_ =	shalt  }
0x60: {  	_ =	shalt  }
0x61: {  	_ =	shalt  }
0x62: {  	_ =	shalt  }
0x63: {  	_ =	shalt  }
0x64: {  	_ =	shalt  }
0x65: {  	_ =	shalt  }
0x66: {  	_ =	shalt  }
0x67: {  	_ =	shalt  }
0x68: {  	_ =	shalt  }
0x69: {  	_ =	shalt  }
0x6a: {  	_ =	shalt  }
0x6b: {  	_ =	shalt  }
0x6c: {  	_ =	shalt  }
0x6d: {  	_ =	shalt  }
0x6e: {  	_ =	shalt  }
0x6f: {  	_ =	shalt  }
0x70: {  	_ =	shalt  }
0x71: {  	_ =	shalt  }
0x72: {  	_ =	shalt  }
0x73: {  	_ =	shalt  }
0x74: {  	_ =	shalt  }
0x75: {  	_ =	shalt  }
0x76: {  	_ =	shalt  }
0x77: {  	_ =	shalt  }
0x78: {  	_ =	shalt  }
0x79: {  	_ =	shalt  }
0x7a: {  	_ =	shalt  }
0x7b: {  	_ =	shalt  }
0x7c: {  	_ =	shalt  }
0x7d: {  	_ =	shalt  }
0x7e: {  	_ =	shalt  }
0x7f: {  	_ =	shalt  }
0x80: {  	_ =	shalt  }
0x81: {  	_ =	shalt  }
0x82: {  	_ =	shalt  }
0x83: {  	_ =	shalt  }
0x84: {  	_ =	shalt  }
0x85: {  	_ =	shalt  }
0x86: {  	_ =	shalt  }
0x87: {  	_ =	shalt  }
.Lfunc_end0:
.L_simem_size_0:
called_computation_lowered:
.L_overlay_start_0:
0x88: {  	s2 =	sld [smem:$0x3FD9]  }
0x89: {  	s3 =	sld [smem:$0x3FFE];
	_ =	sdelay $0x1  }
0x8a: {  	s1 =	srdreg.scid  }
0x8b: {  	s0 =	sand.u32 $0x1, s1  }
0x8c: {  	s17 =	sshll.u32 s0, $0xA;
	s2 =	sadd.s32 s3, s2  }
0x8d: {  	s2 =	sadd.s32 s2, s17  }
0x8e: {  	[smem:$0x3FBF] =	sst s2  }
0x8f: {  	_ = 	snop  }
0x90: {  	s2 =	sld [smem:$0x3FC9]  }
0x91: {  	s18 =	sld [smem:$0x3FD0];
	(tm) =	ssettm $0x1  }
0x92: {  	s4 =	sld [smem:$0x3FFB];
	_ =	sdelay $0x3  }
0x93: {  	_ =	strace s4  }
0x94: {  	s4 =	sld [smem:$0x3FFC];
	_ =	sdelay $0x3  }
0x95: {  	_ =	strace s4  }
0x96: {  	s4 =	sld [smem:$0x3FFD];
	_ =	sdelay $0x3  }
0x97: {  	_ =	strace s4  }
0x98: {  	_ =	strace $0x8FFFFFFF  }
0x99: {  	s19 =	sld [smem:$0x3FDB];
	_ =	sdelay $0x1  }
0x9a: {  	s5 =	simm.s32 $_scs_section_size  }
0x9b: {  	s6 =	simm.s32 $_size__tile_overlayer_lowered;
	s7 =	simm.s32 $_tile_overlayer_lowered  }
0x9c: {  	s22 =	simm.s32 $0x1BFF;
	s21 =	sshll.u32 s7, $0x1;
	s4 =	sadd.s32 s5, s19  }
0x9d: {  	s8 =	simm.s32 $0x0;
	s20 =	sshll.u32 s6, $0x1;
	s6 =	sadd.s32 s21, s4  }
0x9e: {  	[timem:s8], [sflag:s22] =	dma.local [hbm:s6], s20  }
0x9f: {  	_ =	swait.ge [sflag:s22], s20  }
0xa0: {  	s5 =	ssub.s32 $0x0, s20;
	[sflag:s22] =	ssyncset.done $0x0  }
0xa1: {  	[sflag:s22] =	ssyncadd.s32 s5;
	_ =	sdelay $0x1  }
0xa2: {  	s23 =	simm.s32 $0x1B8B  }
0xa3: {  	_ =	swait.ge [sflag:s23], $0x1  }
0xa4: {  	[sflag:s23] =	ssyncset.done $0x0  }
0xa5: {  	s25 =	simm.s32 $0x1B8E;
	s24 =	sld [smem:$0x3FFE];
	[sflag:s23] =	ssyncadd.s32 $0xFFFFFFFF  }
0xa6: {  	s26 =	simm.s32 $execute0_lowered;
	[smem:$0x3FD2] =	sst s25  }
0xa7: {  	s6 =	sshll.u32 s26, $0x1;
	_ =	strace $0x80000046;
	[dreg:$0x1] =	wrdreg $0xFFFFFFFF  }
0xa8: {  	s28 =	simm.s32 $_size_execute0_lowered;
	s4 =	sadd.s32 s4, s6;
	[dreg:$0x0] =	wrdreg $0x0  }
0xa9: {  	s6 =	sshll.u32 s28, $0x1;
	[dreg:$0x2] =	wrdreg s4  }
0xaa: {  	[dreg:$0x3] =	wrdreg s6  }
0xab: {  	[dreg:$0x4] =	wrdreg $0xC0  }
0xac: {  	_ =	task [dreg:s8], $0x5FFFF  }
0xad: {  	[dreg:$0x1] =	wrdreg $0xFFFFFFFF  }
0xae: {  	[dreg:$0x0] =	wrdreg $0x60  }
0xaf: {  	[dreg:$0x2] =	wrdreg s2  }
0xb0: {  	[dreg:$0x3] =	wrdreg s18  }
0xb1: {  	[dreg:$0x4] =	wrdreg s24  }
0xb2: {  	[dreg:$0x5] =	wrdreg $0x9  }
0xb3: {  	_ =	task.clear_ibuf [dreg:s8], $0x6FFFF;
	_ =	strace $0x90000046  }
0xb4: {  	s29 =	simm.s32 $0x9;
	_ =	strace $0x80000048  }
0xb5: {  	_ =	swait.ge [sflag:s29], $0x1  }
0xb6: {  	[sflag:s29] =	ssyncadd.s32 $0xFFFFFFFF  }
0xb7: {  	_ =	strace $0x90000048  }
0xb8: {  	_ =	sfence  }
0xb9: {  	s30 =	sld [smem:$0x0];
	_ =	sdelay $0x2  }
0xba: {  	s31 =	sshll.u32 s1, $0xD;
	s1 =	sshrl.u32 s1, $0x2  }
0xbb: {  	s3 =	sand.u32 $0x4000, s31;
	s1 =	sadd.s32 s1, s30  }
0xbc: {  	s0 =	sor.u32 s3, s0;
	s1 =	sshll.u32 s1, $0x11  }
0xbd: {  	s0 =	sor.u32 s1, s0  }
0xbe: {  	s0 =	sadd.s32 $0x8F2B, s0  }
0xbf: {  	[sflag:s0] =	ssyncadd.remote.s32 $0x1  }
0xc0: {  	_ =	sfence.sel $0xFFFF  }
0xc1: {  	[dreg:$0x0] =	wrdreg $0xFFFFFFFF;
	(pc) =	sbr.abs _section_cstart, $3  }
0xc2: {  	[dreg:$0x1] =	wrdreg $0xFFFFFFFF  }
0xc3: {  	_ =	task.clear_ibuf [dreg:s8], $0x2FFFF;
	_ =	strace $0x9FFFFFFF  }
0xc4: {  	(tm) =	ssettm $0x7FFFFFFF  }
0xc5: {  	_ =	shalt  }
tec
execute0_lowered:
.L_overlay_start_1:
0x0: {  	(tag) =	ssettag $0x1  }
0x1: {  	s0 =	rddreg [dreg:$0x0]  }
0x2: {  	s1 =	rddreg [dreg:$0x1]  }
0x3: {  	s2 =	rddreg [dreg:$0x2];
	s3 =	srdreg.scid  }
0x4: {  	s5 =	stileid.u32;
	s23 =	simm.s32 $0x80;
	s18 =	simm.s32 $0x1  }
0x5: {  	s4 =	sand.u32 $0x1, s3;
	s3 =	simm.s32 $0x0;
	s5 =	sshll.u32 s5, $0x9  }
0x6: {  	s6 =	sshll.u32 s4, $0x8;
	[smem:$0x7FF] =	sst s3;
	s4 =	ssub.s32 $0x2, s4  }
0x7: {  	s6 =	sor.u32 s6, s5;
	_ =	strace $0x80000047;
	s7 =	sshrl.u32 s4, $0x1  }
0x8: {  	s5 =	sshrl.u32 s6, $0x3;
	s8 =	sshll.u32 s6, $0x7;
	s25 =	sor.u32 $0x40, s6  }
0x9: {  	s7 =	ssub.s32 s4, s7;
	s4 =	sadd.s32 $0x100, s2;
	s9 =	sor.u32 $0x80, s6  }
0xa: {  	s6 =	sor.u32 $0xC0, s6;
	s5 =	sadd.s32 s1, s5;
	s24 =	sadd.s32 s0, s8  }
0xb: {  	s26 =	sshrl.u32 s25, $0x3;
	s8 =	sshll.u32 s25, $0x7;
	[dreg:$0x4] =	wrdreg s5  }
0xc: {  	s28 =	sshrl.u32 s9, $0x3;
	[dreg:$0x5] =	wrdreg s24;
	s5 =	sadd.s32 s1, s26  }
0xd: {  	s9 =	sshll.u32 s9, $0x7;
	s8 =	sadd.s32 s0, s8;
	[dreg:$0x6] =	wrdreg s5  }
0xe: {  	s31 =	sshll.u32 s6, $0x7;
	s29 =	sadd.s32 s0, s9;
	[dreg:$0x7] =	wrdreg s8  }
0xf: {  	s30 =	sshrl.u32 s6, $0x3;
	s0 =	sadd.s32 s0, s31;
	[dreg:$0x9] =	wrdreg s29  }
0x10: {  	v2 =	vlaneseq.u32;
	s6 =	sadd.s32 $0x300, s2;
	s8 =	sadd.s32 s1, s28;
	[dreg:$0xb] =	wrdreg s0  }
0x11: {  	vm0 =	vmmov $0xffff;
	v1 =	vshrl.u32 v2, $0x3;
	s7 =	smax.u32 s7, $0x1;
	s1 =	sadd.s32 s1, s30;
	[dreg:$0x8] =	wrdreg s8  }
0x12: {  	v0 =	vand.u32 $0x7, v2;
	v2 =	vor.u32 $0x8, v2;
	v1 =	vmul.u32 $0x8, v1;
	s5 =	sadd.s32 $0x200, s2;
	[dreg:$0xa] =	wrdreg s1;
	s8 =	simm.s32 $0x2  }
.LBB2_1:
0x13: {  	s19 =	rddreg [dreg:$0x4]  }
0x14: {  	[tilespmem:s3], [sflag:$0x2] =	stream.linear.gather [hbm4b:s19+s3], $0x40, $0x38;
	[tilespmem:$0x10080] =	vst v63  }
0x15: {  	_ =	swait.ge [sflag:s8], $0x40  }
0x16: {  	[sflag:s8] =	ssyncset.done $0x0  }
0x17: {  	s11 =	rddreg [dreg:$0x5];
	[sflag:s8] =	ssyncadd.s32 $0xFFFFFFC0  }
0x18: {  	[tilespmem:s23], [sflag:$0x2] =	stream.linear.gather [hbm4b:s11+s3], $0x10000, $0x38;
	[tilespmem:$0x10080] =	vst v63  }
0x19: {  	_ =	swait.ge [sflag:s8], $0x10000  }
0x1a: {  	[sflag:s8] =	ssyncset.done $0x0  }
0x1b: {  	[sflag:s8] =	ssyncadd.s32 $0xFFFF0000  }
0x1c: {  	v3 =	vld [tilespmem:$0x0];
	_ =	sdelay $0x4  }
0x1d: {  	v4 =	vshll.u32 v3, $0x3  }
0x1e: {  	v3 =	vand.u32 $0x7, v3;
	v4 =	vand.u32 $0xFFFFFFC0, v4  }
0x1f: {  	v3 =	vor.u32 v3, v4  }
0x20: {  	v4 =	vperm.xlane v3, v0;
	_ =	sdelay $0x1  }
0x21: {  	v4 =	vadd.s32 v1, v4;
	_ =	sdelay $0x4  }
0x22: {  	[hbm4b:s2+s3] =	stream.indirect_vreg.scatter [tilespmem:s23], [sflag:$0x1], $0x80, v4, vm0, $0xb8;
	[tilespmem:$0x10080] =	vst v63  }
0x23: {  	s0 =	simm.s32 $0x880;
	v3 =	vperm.xlane v3, v2  }
0x24: {  	[hbm4b:s4+s3] =	stream.indirect_vreg.scatter [tilespmem:s0], [sflag:$0x1], $0x80, v4, vm0, $0xb8;
	[tilespmem:$0x10080] =	vst v63  }
0x25: {  	s12 =	simm.s32 $0x1080;
	v3 =	vadd.s32 v1, v3  }
0x26: {  	[hbm4b:s5+s3] =	stream.indirect_vreg.scatter [tilespmem:s12], [sflag:$0x1], $0x80, v4, vm0, $0xb8;
	[tilespmem:$0x10080] =	vst v63  }
0x27: {  	s13 =	simm.s32 $0x1880  }
0x28: {  	[hbm4b:s6+s3] =	stream.indirect_vreg.scatter [tilespmem:s13], [sflag:$0x1], $0x80, v4, vm0, $0xb8;
	[tilespmem:$0x10080] =	vst v63  }
0x29: {  	s15 =	simm.s32 $0x2080  }
0x2a: {  	[hbm4b:s2+s3] =	stream.indirect_vreg.scatter [tilespmem:s15], [sflag:$0x1], $0x80, v3, vm0, $0xb8;
	[tilespmem:$0x10080] =	vst v63  }
0x2b: {  	s16 =	simm.s32 $0x2880  }
0x2c: {  	[hbm4b:s4+s3] =	stream.indirect_vreg.scatter [tilespmem:s16], [sflag:$0x1], $0x80, v3, vm0, $0xb8;
	[tilespmem:$0x10080] =	vst v63  }
0x2d: {  	s17 =	simm.s32 $0x3080  }
0x2e: {  	[hbm4b:s5+s3] =	stream.indirect_vreg.scatter [tilespmem:s17], [sflag:$0x1], $0x80, v3, vm0, $0xb8;
	[tilespmem:$0x10080] =	vst v63  }
0x2f: {  	s19 =	simm.s32 $0x3880  }
0x30: {  	[hbm4b:s6+s3] =	stream.indirect_vreg.scatter [tilespmem:s19], [sflag:$0x1], $0x80, v3, vm0, $0xb8;
	[tilespmem:$0x10080] =	vst v63  }
0x31: {  	v3 =	vld [tilespmem:$0x10];
	_ =	sdelay $0x4  }
0x32: {  	v49 =	vshll.u32 v3, $0x3  }
0x33: {  	v3 =	vand.u32 $0x7, v3;
	v4 =	vand.u32 $0xFFFFFFC0, v49  }
0x34: {  	v3 =	vor.u32 v3, v4  }
0x35: {  	v4 =	vperm.xlane v3, v0;
	_ =	sdelay $0x1  }
0x36: {  	v4 =	vadd.s32 v1, v4;
	_ =	sdelay $0x3  }
0x37: {  	s20 =	simm.s32 $0x4080  }
0x38: {  	[hbm4b:s2+s3] =	stream.indirect_vreg.scatter [tilespmem:s20], [sflag:$0x1], $0x80, v4, vm0, $0xb8;
	[tilespmem:$0x10080] =	vst v63  }
0x39: {  	s21 =	simm.s32 $0x4880;
	v3 =	vperm.xlane v3, v2  }
0x3a: {  	[hbm4b:s4+s3] =	stream.indirect_vreg.scatter [tilespmem:s21], [sflag:$0x1], $0x80, v4, vm0, $0xb8;
	[tilespmem:$0x10080] =	vst v63  }
0x3b: {  	s22 =	simm.s32 $0x5080;
	v3 =	vadd.s32 v1, v3  }
0x3c: {  	[hbm4b:s5+s3] =	stream.indirect_vreg.scatter [tilespmem:s22], [sflag:$0x1], $0x80, v4, vm0, $0xb8;
	[tilespmem:$0x10080] =	vst v63  }
0x3d: {  	s24 =	simm.s32 $0x5880  }
0x3e: {  	[hbm4b:s6+s3] =	stream.indirect_vreg.scatter [tilespmem:s24], [sflag:$0x1], $0x80, v4, vm0, $0xb8;
	[tilespmem:$0x10080] =	vst v63  }
0x3f: {  	s25 =	simm.s32 $0x6080  }
0x40: {  	[hbm4b:s2+s3] =	stream.indirect_vreg.scatter [tilespmem:s25], [sflag:$0x1], $0x80, v3, vm0, $0xb8;
	[tilespmem:$0x10080] =	vst v63  }
0x41: {  	s26 =	simm.s32 $0x6880  }
0x42: {  	[hbm4b:s4+s3] =	stream.indirect_vreg.scatter [tilespmem:s26], [sflag:$0x1], $0x80, v3, vm0, $0xb8;
	[tilespmem:$0x10080] =	vst v63  }
0x43: {  	s28 =	simm.s32 $0x7080  }
0x44: {  	[hbm4b:s5+s3] =	stream.indirect_vreg.scatter [tilespmem:s28], [sflag:$0x1], $0x80, v3, vm0, $0xb8;
	[tilespmem:$0x10080] =	vst v63  }
0x45: {  	s29 =	simm.s32 $0x7880  }
0x46: {  	[hbm4b:s6+s3] =	stream.indirect_vreg.scatter [tilespmem:s29], [sflag:$0x1], $0x80, v3, vm0, $0xb8;
	[tilespmem:$0x10080] =	vst v63  }
0x47: {  	v3 =	vld [tilespmem:$0x20];
	_ =	sdelay $0x4  }
0x48: {  	v50 =	vshll.u32 v3, $0x3  }
0x49: {  	v3 =	vand.u32 $0x7, v3;
	v4 =	vand.u32 $0xFFFFFFC0, v50  }
0x4a: {  	v3 =	vor.u32 v3, v4  }
0x4b: {  	v4 =	vperm.xlane v3, v0;
	_ =	sdelay $0x1  }
0x4c: {  	v4 =	vadd.s32 v1, v4;
	_ =	sdelay $0x3  }
0x4d: {  	s30 =	simm.s32 $0x8080  }
0x4e: {  	[hbm4b:s2+s3] =	stream.indirect_vreg.scatter [tilespmem:s30], [sflag:$0x1], $0x80, v4, vm0, $0xb8;
	[tilespmem:$0x10080] =	vst v63  }
0x4f: {  	s16 =	simm.s32 $0x8880;
	v3 =	vperm.xlane v3, v2  }
0x50: {  	[hbm4b:s4+s3] =	stream.indirect_vreg.scatter [tilespmem:s16], [sflag:$0x1], $0x80, v4, vm0, $0xb8;
	[tilespmem:$0x10080] =	vst v63  }
0x51: {  	s17 =	simm.s32 $0x9080;
	v3 =	vadd.s32 v1, v3  }
0x52: {  	[hbm4b:s5+s3] =	stream.indirect_vreg.scatter [tilespmem:s17], [sflag:$0x1], $0x80, v4, vm0, $0xb8;
	[tilespmem:$0x10080] =	vst v63  }
0x53: {  	s19 =	simm.s32 $0x9880  }
0x54: {  	[hbm4b:s6+s3] =	stream.indirect_vreg.scatter [tilespmem:s19], [sflag:$0x1], $0x80, v4, vm0, $0xb8;
	[tilespmem:$0x10080] =	vst v63  }
0x55: {  	s20 =	simm.s32 $0xA080  }
0x56: {  	[hbm4b:s2+s3] =	stream.indirect_vreg.scatter [tilespmem:s20], [sflag:$0x1], $0x80, v3, vm0, $0xb8;
	[tilespmem:$0x10080] =	vst v63  }
0x57: {  	s21 =	simm.s32 $0xA880  }
0x58: {  	[hbm4b:s4+s3] =	stream.indirect_vreg.scatter [tilespmem:s21], [sflag:$0x1], $0x80, v3, vm0, $0xb8;
	[tilespmem:$0x10080] =	vst v63  }
0x59: {  	s22 =	simm.s32 $0xB080  }
0x5a: {  	[hbm4b:s5+s3] =	stream.indirect_vreg.scatter [tilespmem:s22], [sflag:$0x1], $0x80, v3, vm0, $0xb8;
	[tilespmem:$0x10080] =	vst v63  }
0x5b: {  	s24 =	simm.s32 $0xB880  }
0x5c: {  	[hbm4b:s6+s3] =	stream.indirect_vreg.scatter [tilespmem:s24], [sflag:$0x1], $0x80, v3, vm0, $0xb8;
	[tilespmem:$0x10080] =	vst v63  }
0x5d: {  	v3 =	vld [tilespmem:$0x30];
	_ =	sdelay $0x4  }
0x5e: {  	v51 =	vshll.u32 v3, $0x3  }
0x5f: {  	v3 =	vand.u32 $0x7, v3;
	v4 =	vand.u32 $0xFFFFFFC0, v51  }
0x60: {  	v3 =	vor.u32 v3, v4  }
0x61: {  	v4 =	vperm.xlane v3, v0;
	_ =	sdelay $0x1  }
0x62: {  	v4 =	vadd.s32 v1, v4;
	_ =	sdelay $0x3  }
0x63: {  	s25 =	simm.s32 $0xC080  }
0x64: {  	[hbm4b:s2+s3] =	stream.indirect_vreg.scatter [tilespmem:s25], [sflag:$0x1], $0x80, v4, vm0, $0xb8;
	[tilespmem:$0x10080] =	vst v63  }
0x65: {  	s26 =	simm.s32 $0xC880;
	v3 =	vperm.xlane v3, v2  }
0x66: {  	[hbm4b:s4+s3] =	stream.indirect_vreg.scatter [tilespmem:s26], [sflag:$0x1], $0x80, v4, vm0, $0xb8;
	[tilespmem:$0x10080] =	vst v63  }
0x67: {  	s29 =	simm.s32 $0xD080;
	v3 =	vadd.s32 v1, v3  }
0x68: {  	[hbm4b:s5+s3] =	stream.indirect_vreg.scatter [tilespmem:s29], [sflag:$0x1], $0x80, v4, vm0, $0xb8;
	[tilespmem:$0x10080] =	vst v63  }
0x69: {  	s0 =	simm.s32 $0xD880  }
0x6a: {  	[hbm4b:s6+s3] =	stream.indirect_vreg.scatter [tilespmem:s0], [sflag:$0x1], $0x80, v4, vm0, $0xb8;
	[tilespmem:$0x10080] =	vst v63  }
0x6b: {  	s16 =	simm.s32 $0xE080  }
0x6c: {  	[hbm4b:s2+s3] =	stream.indirect_vreg.scatter [tilespmem:s16], [sflag:$0x1], $0x80, v3, vm0, $0xb8;
	[tilespmem:$0x10080] =	vst v63  }
0x6d: {  	s17 =	simm.s32 $0xE880  }
0x6e: {  	[hbm4b:s4+s3] =	stream.indirect_vreg.scatter [tilespmem:s17], [sflag:$0x1], $0x80, v3, vm0, $0xb8;
	[tilespmem:$0x10080] =	vst v63  }
0x6f: {  	s24 =	simm.s32 $0xF080  }
0x70: {  	[hbm4b:s5+s3] =	stream.indirect_vreg.scatter [tilespmem:s24], [sflag:$0x1], $0x80, v3, vm0, $0xb8;
	[tilespmem:$0x10080] =	vst v63  }
0x71: {  	s25 =	simm.s32 $0xF880  }
0x72: {  	[hbm4b:s6+s3] =	stream.indirect_vreg.scatter [tilespmem:s25], [sflag:$0x1], $0x80, v3, vm0, $0xb8;
	[tilespmem:$0x10080] =	vst v63  }
0x73: {  	_ =	swait.ge [sflag:s18], $0x10000  }
0x74: {  	[sflag:s18] =	ssyncset.done $0x0  }
0x75: {  	s0 =	rddreg [dreg:$0x6];
	[sflag:s18] =	ssyncadd.s32 $0xFFFF0000  }
0x76: {  	[tilespmem:s3], [sflag:$0x2] =	stream.linear.gather [hbm4b:s0+s3], $0x40, $0x38;
	[tilespmem:$0x10080] =	vst v63  }
0x77: {  	_ =	swait.ge [sflag:s8], $0x40  }
0x78: {  	[sflag:s8] =	ssyncset.done $0x0  }
0x79: {  	s16 =	rddreg [dreg:$0x7];
	[sflag:s8] =	ssyncadd.s32 $0xFFFFFFC0  }
0x7a: {  	[tilespmem:s23], [sflag:$0x2] =	stream.linear.gather [hbm4b:s16+s3], $0x10000, $0x38;
	[tilespmem:$0x10080] =	vst v63  }
0x7b: {  	_ =	swait.ge [sflag:s8], $0x10000  }
0x7c: {  	[sflag:s8] =	ssyncset.done $0x0  }
0x7d: {  	[sflag:s8] =	ssyncadd.s32 $0xFFFF0000  }
0x7e: {  	v3 =	vld [tilespmem:$0x0];
	_ =	sdelay $0x4  }
0x7f: {  	v52 =	vshll.u32 v3, $0x3  }
0x80: {  	v3 =	vand.u32 $0x7, v3;
	v4 =	vand.u32 $0xFFFFFFC0, v52  }
0x81: {  	v3 =	vor.u32 v3, v4  }
0x82: {  	v4 =	vperm.xlane v3, v0;
	_ =	sdelay $0x1  }
0x83: {  	v4 =	vadd.s32 v1, v4;
	_ =	sdelay $0x4  }
0x84: {  	[hbm4b:s2+s3] =	stream.indirect_vreg.scatter [tilespmem:s23], [sflag:$0x1], $0x80, v4, vm0, $0xb8;
	[tilespmem:$0x10080] =	vst v63  }
0x85: {  	s14 =	simm.s32 $0x880;
	v3 =	vperm.xlane v3, v2  }
0x86: {  	[hbm4b:s4+s3] =	stream.indirect_vreg.scatter [tilespmem:s14], [sflag:$0x1], $0x80, v4, vm0, $0xb8;
	[tilespmem:$0x10080] =	vst v63  }
0x87: {  	s1 =	simm.s32 $0x1080;
	v3 =	vadd.s32 v1, v3  }
0x88: {  	[hbm4b:s5+s3] =	stream.indirect_vreg.scatter [tilespmem:s1], [sflag:$0x1], $0x80, v4, vm0, $0xb8;
	[tilespmem:$0x10080] =	vst v63  }
0x89: {  	s9 =	simm.s32 $0x1880  }
0x8a: {  	[hbm4b:s6+s3] =	stream.indirect_vreg.scatter [tilespmem:s9], [sflag:$0x1], $0x80, v4, vm0, $0xb8;
	[tilespmem:$0x10080] =	vst v63  }
0x8b: {  	s10 =	simm.s32 $0x2080  }
0x8c: {  	[hbm4b:s2+s3] =	stream.indirect_vreg.scatter [tilespmem:s10], [sflag:$0x1], $0x80, v3, vm0, $0xb8;
	[tilespmem:$0x10080] =	vst v63  }
0x8d: {  	s11 =	simm.s32 $0x2880  }
0x8e: {  	[hbm4b:s4+s3] =	stream.indirect_vreg.scatter [tilespmem:s11], [sflag:$0x1], $0x80, v3, vm0, $0xb8;
	[tilespmem:$0x10080] =	vst v63  }
0x8f: {  	s12 =	simm.s32 $0x3080  }
0x90: {  	[hbm4b:s5+s3] =	stream.indirect_vreg.scatter [tilespmem:s12], [sflag:$0x1], $0x80, v3, vm0, $0xb8;
	[tilespmem:$0x10080] =	vst v63  }
0x91: {  	s15 =	simm.s32 $0x3880  }
0x92: {  	[hbm4b:s6+s3] =	stream.indirect_vreg.scatter [tilespmem:s15], [sflag:$0x1], $0x80, v3, vm0, $0xb8;
	[tilespmem:$0x10080] =	vst v63  }
0x93: {  	v3 =	vld [tilespmem:$0x10];
	_ =	sdelay $0x4  }
0x94: {  	v53 =	vshll.u32 v3, $0x3  }
0x95: {  	v3 =	vand.u32 $0x7, v3;
	v4 =	vand.u32 $0xFFFFFFC0, v53  }
0x96: {  	v3 =	vor.u32 v3, v4  }
0x97: {  	v4 =	vperm.xlane v3, v0;
	_ =	sdelay $0x1  }
0x98: {  	v4 =	vadd.s32 v1, v4;
	_ =	sdelay $0x3  }
0x99: {  	s16 =	simm.s32 $0x4080  }
0x9a: {  	[hbm4b:s2+s3] =	stream.indirect_vreg.scatter [tilespmem:s16], [sflag:$0x1], $0x80, v4, vm0, $0xb8;
	[tilespmem:$0x10080] =	vst v63  }
0x9b: {  	s31 =	simm.s32 $0x4880;
	v3 =	vperm.xlane v3, v2  }
0x9c: {  	[hbm4b:s4+s3] =	stream.indirect_vreg.scatter [tilespmem:s31], [sflag:$0x1], $0x80, v4, vm0, $0xb8;
	[tilespmem:$0x10080] =	vst v63  }
0x9d: {  	s13 =	simm.s32 $0x5080;
	v3 =	vadd.s32 v1, v3  }
0x9e: {  	[hbm4b:s5+s3] =	stream.indirect_vreg.scatter [tilespmem:s13], [sflag:$0x1], $0x80, v4, vm0, $0xb8;
	[tilespmem:$0x10080] =	vst v63  }
0x9f: {  	s31 =	simm.s32 $0x5880  }
0xa0: {  	[hbm4b:s6+s3] =	stream.indirect_vreg.scatter [tilespmem:s31], [sflag:$0x1], $0x80, v4, vm0, $0xb8;
	[tilespmem:$0x10080] =	vst v63  }
0xa1: {  	s0 =	simm.s32 $0x6080  }
0xa2: {  	[hbm4b:s2+s3] =	stream.indirect_vreg.scatter [tilespmem:s0], [sflag:$0x1], $0x80, v3, vm0, $0xb8;
	[tilespmem:$0x10080] =	vst v63  }
0xa3: {  	s1 =	simm.s32 $0x6880  }
0xa4: {  	[hbm4b:s4+s3] =	stream.indirect_vreg.scatter [tilespmem:s1], [sflag:$0x1], $0x80, v3, vm0, $0xb8;
	[tilespmem:$0x10080] =	vst v63  }
0xa5: {  	s9 =	simm.s32 $0x7080  }
0xa6: {  	[hbm4b:s5+s3] =	stream.indirect_vreg.scatter [tilespmem:s9], [sflag:$0x1], $0x80, v3, vm0, $0xb8;
	[tilespmem:$0x10080] =	vst v63  }
0xa7: {  	s13 =	simm.s32 $0x7880  }
0xa8: {  	[hbm4b:s6+s3] =	stream.indirect_vreg.scatter [tilespmem:s13], [sflag:$0x1], $0x80, v3, vm0, $0xb8;
	[tilespmem:$0x10080] =	vst v63  }
0xa9: {  	v3 =	vld [tilespmem:$0x20];
	_ =	sdelay $0x4  }
0xaa: {  	v54 =	vshll.u32 v3, $0x3  }
0xab: {  	v3 =	vand.u32 $0x7, v3;
	v4 =	vand.u32 $0xFFFFFFC0, v54  }
0xac: {  	v3 =	vor.u32 v3, v4  }
0xad: {  	v4 =	vperm.xlane v3, v0;
	_ =	sdelay $0x1  }
0xae: {  	v4 =	vadd.s32 v1, v4;
	_ =	sdelay $0x3  }
0xaf: {  	s14 =	simm.s32 $0x8080  }
0xb0: {  	[hbm4b:s2+s3] =	stream.indirect_vreg.scatter [tilespmem:s14], [sflag:$0x1], $0x80, v4, vm0, $0xb8;
	[tilespmem:$0x10080] =	vst v63  }
0xb1: {  	s15 =	simm.s32 $0x8880;
	v3 =	vperm.xlane v3, v2  }
0xb2: {  	[hbm4b:s4+s3] =	stream.indirect_vreg.scatter [tilespmem:s15], [sflag:$0x1], $0x80, v4, vm0, $0xb8;
	[tilespmem:$0x10080] =	vst v63  }
0xb3: {  	s10 =	simm.s32 $0x9080;
	v3 =	vadd.s32 v1, v3  }
0xb4: {  	[hbm4b:s5+s3] =	stream.indirect_vreg.scatter [tilespmem:s10], [sflag:$0x1], $0x80, v4, vm0, $0xb8;
	[tilespmem:$0x10080] =	vst v63  }
0xb5: {  	s11 =	simm.s32 $0x9880  }
0xb6: {  	[hbm4b:s6+s3] =	stream.indirect_vreg.scatter [tilespmem:s11], [sflag:$0x1], $0x80, v4, vm0, $0xb8;
	[tilespmem:$0x10080] =	vst v63  }
0xb7: {  	s12 =	simm.s32 $0xA080  }
0xb8: {  	[hbm4b:s2+s3] =	stream.indirect_vreg.scatter [tilespmem:s12], [sflag:$0x1], $0x80, v3, vm0, $0xb8;
	[tilespmem:$0x10080] =	vst v63  }
0xb9: {  	s30 =	simm.s32 $0xA880  }
0xba: {  	[hbm4b:s4+s3] =	stream.indirect_vreg.scatter [tilespmem:s30], [sflag:$0x1], $0x80, v3, vm0, $0xb8;
	[tilespmem:$0x10080] =	vst v63  }
0xbb: {  	s28 =	simm.s32 $0xB080  }
0xbc: {  	[hbm4b:s5+s3] =	stream.indirect_vreg.scatter [tilespmem:s28], [sflag:$0x1], $0x80, v3, vm0, $0xb8;
	[tilespmem:$0x10080] =	vst v63  }
0xbd: {  	s20 =	simm.s32 $0xB880  }
0xbe: {  	[hbm4b:s6+s3] =	stream.indirect_vreg.scatter [tilespmem:s20], [sflag:$0x1], $0x80, v3, vm0, $0xb8;
	[tilespmem:$0x10080] =	vst v63  }
0xbf: {  	v3 =	vld [tilespmem:$0x30];
	_ =	sdelay $0x4  }
0xc0: {  	v55 =	vshll.u32 v3, $0x3  }
0xc1: {  	v3 =	vand.u32 $0x7, v3;
	v4 =	vand.u32 $0xFFFFFFC0, v55  }
0xc2: {  	v3 =	vor.u32 v3, v4  }
0xc3: {  	v4 =	vperm.xlane v3, v0;
	_ =	sdelay $0x1  }
0xc4: {  	v4 =	vadd.s32 v1, v4;
	_ =	sdelay $0x3  }
0xc5: {  	s21 =	simm.s32 $0xC080  }
0xc6: {  	[hbm4b:s2+s3] =	stream.indirect_vreg.scatter [tilespmem:s21], [sflag:$0x1], $0x80, v4, vm0, $0xb8;
	[tilespmem:$0x10080] =	vst v63  }
0xc7: {  	s22 =	simm.s32 $0xC880;
	v3 =	vperm.xlane v3, v2  }
0xc8: {  	[hbm4b:s4+s3] =	stream.indirect_vreg.scatter [tilespmem:s22], [sflag:$0x1], $0x80, v4, vm0, $0xb8;
	[tilespmem:$0x10080] =	vst v63  }
0xc9: {  	v3 =	vadd.s32 v1, v3;
	s22 =	simm.s32 $0xD080  }
0xca: {  	[hbm4b:s5+s3] =	stream.indirect_vreg.scatter [tilespmem:s22], [sflag:$0x1], $0x80, v4, vm0, $0xb8;
	[tilespmem:$0x10080] =	vst v63  }
0xcb: {  	s26 =	simm.s32 $0xD880  }
0xcc: {  	[hbm4b:s6+s3] =	stream.indirect_vreg.scatter [tilespmem:s26], [sflag:$0x1], $0x80, v4, vm0, $0xb8;
	[tilespmem:$0x10080] =	vst v63  }
0xcd: {  	s29 =	simm.s32 $0xE080  }
0xce: {  	[hbm4b:s2+s3] =	stream.indirect_vreg.scatter [tilespmem:s29], [sflag:$0x1], $0x80, v3, vm0, $0xb8;
	[tilespmem:$0x10080] =	vst v63  }
0xcf: {  	s26 =	simm.s32 $0xE880  }
0xd0: {  	[hbm4b:s4+s3] =	stream.indirect_vreg.scatter [tilespmem:s26], [sflag:$0x1], $0x80, v3, vm0, $0xb8;
	[tilespmem:$0x10080] =	vst v63  }
0xd1: {  	s30 =	simm.s32 $0xF080  }
0xd2: {  	[hbm4b:s5+s3] =	stream.indirect_vreg.scatter [tilespmem:s30], [sflag:$0x1], $0x80, v3, vm0, $0xb8;
	[tilespmem:$0x10080] =	vst v63  }
0xd3: {  	s17 =	simm.s32 $0xF880  }
0xd4: {  	[hbm4b:s6+s3] =	stream.indirect_vreg.scatter [tilespmem:s17], [sflag:$0x1], $0x80, v3, vm0, $0xb8;
	[tilespmem:$0x10080] =	vst v63  }
0xd5: {  	_ =	swait.ge [sflag:s18], $0x10000  }
0xd6: {  	[sflag:s18] =	ssyncset.done $0x0  }
0xd7: {  	s21 =	rddreg [dreg:$0x8];
	[sflag:s18] =	ssyncadd.s32 $0xFFFF0000  }
0xd8: {  	[tilespmem:s3], [sflag:$0x2] =	stream.linear.gather [hbm4b:s21+s3], $0x40, $0x38;
	[tilespmem:$0x10080] =	vst v63  }
0xd9: {  	_ =	swait.ge [sflag:s8], $0x40  }
0xda: {  	[sflag:s8] =	ssyncset.done $0x0  }
0xdb: {  	s17 =	rddreg [dreg:$0x9];
	[sflag:s8] =	ssyncadd.s32 $0xFFFFFFC0  }
0xdc: {  	[tilespmem:s23], [sflag:$0x2] =	stream.linear.gather [hbm4b:s17+s3], $0x10000, $0x38;
	[tilespmem:$0x10080] =	vst v63  }
0xdd: {  	_ =	swait.ge [sflag:s8], $0x10000  }
0xde: {  	[sflag:s8] =	ssyncset.done $0x0  }
0xdf: {  	[sflag:s8] =	ssyncadd.s32 $0xFFFF0000  }
0xe0: {  	v3 =	vld [tilespmem:$0x0];
	_ =	sdelay $0x4  }
0xe1: {  	v56 =	vshll.u32 v3, $0x3  }
0xe2: {  	v3 =	vand.u32 $0x7, v3;
	v4 =	vand.u32 $0xFFFFFFC0, v56  }
0xe3: {  	v3 =	vor.u32 v3, v4  }
0xe4: {  	v4 =	vperm.xlane v3, v0;
	_ =	sdelay $0x1  }
0xe5: {  	v4 =	vadd.s32 v1, v4;
	_ =	sdelay $0x4  }
0xe6: {  	[hbm4b:s2+s3] =	stream.indirect_vreg.scatter [tilespmem:s23], [sflag:$0x1], $0x80, v4, vm0, $0xb8;
	[tilespmem:$0x10080] =	vst v63  }
0xe7: {  	s21 =	simm.s32 $0x880;
	v3 =	vperm.xlane v3, v2  }
0xe8: {  	[hbm4b:s4+s3] =	stream.indirect_vreg.scatter [tilespmem:s21], [sflag:$0x1], $0x80, v4, vm0, $0xb8;
	[tilespmem:$0x10080] =	vst v63  }
0xe9: {  	s25 =	simm.s32 $0x1080;
	v3 =	vadd.s32 v1, v3  }
0xea: {  	[hbm4b:s5+s3] =	stream.indirect_vreg.scatter [tilespmem:s25], [sflag:$0x1], $0x80, v4, vm0, $0xb8;
	[tilespmem:$0x10080] =	vst v63  }
0xeb: {  	s19 =	simm.s32 $0x1880  }
0xec: {  	[hbm4b:s6+s3] =	stream.indirect_vreg.scatter [tilespmem:s19], [sflag:$0x1], $0x80, v4, vm0, $0xb8;
	[tilespmem:$0x10080] =	vst v63  }
0xed: {  	s25 =	simm.s32 $0x2080  }
0xee: {  	[hbm4b:s2+s3] =	stream.indirect_vreg.scatter [tilespmem:s25], [sflag:$0x1], $0x80, v3, vm0, $0xb8;
	[tilespmem:$0x10080] =	vst v63  }
0xef: {  	s19 =	simm.s32 $0x2880  }
0xf0: {  	[hbm4b:s4+s3] =	stream.indirect_vreg.scatter [tilespmem:s19], [sflag:$0x1], $0x80, v3, vm0, $0xb8;
	[tilespmem:$0x10080] =	vst v63  }
0xf1: {  	s25 =	simm.s32 $0x3080  }
0xf2: {  	[hbm4b:s5+s3] =	stream.indirect_vreg.scatter [tilespmem:s25], [sflag:$0x1], $0x80, v3, vm0, $0xb8;
	[tilespmem:$0x10080] =	vst v63  }
0xf3: {  	s19 =	simm.s32 $0x3880  }
0xf4: {  	[hbm4b:s6+s3] =	stream.indirect_vreg.scatter [tilespmem:s19], [sflag:$0x1], $0x80, v3, vm0, $0xb8;
	[tilespmem:$0x10080] =	vst v63  }
0xf5: {  	v3 =	vld [tilespmem:$0x10];
	_ =	sdelay $0x4  }
0xf6: {  	v57 =	vshll.u32 v3, $0x3  }
0xf7: {  	v3 =	vand.u32 $0x7, v3;
	v4 =	vand.u32 $0xFFFFFFC0, v57  }
0xf8: {  	v3 =	vor.u32 v3, v4  }
0xf9: {  	v4 =	vperm.xlane v3, v0;
	_ =	sdelay $0x1  }
0xfa: {  	v4 =	vadd.s32 v1, v4;
	_ =	sdelay $0x4  }
0xfb: {  	[hbm4b:s2+s3] =	stream.indirect_vreg.scatter [tilespmem:s16], [sflag:$0x1], $0x80, v4, vm0, $0xb8;
	[tilespmem:$0x10080] =	vst v63  }
0xfc: {  	s25 =	simm.s32 $0x4880;
	v3 =	vperm.xlane v3, v2  }
0xfd: {  	[hbm4b:s4+s3] =	stream.indirect_vreg.scatter [tilespmem:s25], [sflag:$0x1], $0x80, v4, vm0, $0xb8;
	[tilespmem:$0x10080] =	vst v63  }
0xfe: {  	s19 =	simm.s32 $0x5080;
	v3 =	vadd.s32 v1, v3  }
0xff: {  	[hbm4b:s5+s3] =	stream.indirect_vreg.scatter [tilespmem:s19], [sflag:$0x1], $0x80, v4, vm0, $0xb8;
	[tilespmem:$0x10080] =	vst v63  }
0x100: {  	_ = 	snop  }
0x101: {  	[hbm4b:s6+s3] =	stream.indirect_vreg.scatter [tilespmem:s31], [sflag:$0x1], $0x80, v4, vm0, $0xb8;
	[tilespmem:$0x10080] =	vst v63  }
0x102: {  	_ = 	snop  }
0x103: {  	[hbm4b:s2+s3] =	stream.indirect_vreg.scatter [tilespmem:s0], [sflag:$0x1], $0x80, v3, vm0, $0xb8;
	[tilespmem:$0x10080] =	vst v63  }
0x104: {  	_ = 	snop  }
0x105: {  	[hbm4b:s4+s3] =	stream.indirect_vreg.scatter [tilespmem:s1], [sflag:$0x1], $0x80, v3, vm0, $0xb8;
	[tilespmem:$0x10080] =	vst v63  }
0x106: {  	_ = 	snop  }
0x107: {  	[hbm4b:s5+s3] =	stream.indirect_vreg.scatter [tilespmem:s9], [sflag:$0x1], $0x80, v3, vm0, $0xb8;
	[tilespmem:$0x10080] =	vst v63  }
0x108: {  	_ = 	snop  }
0x109: {  	[hbm4b:s6+s3] =	stream.indirect_vreg.scatter [tilespmem:s13], [sflag:$0x1], $0x80, v3, vm0, $0xb8;
	[tilespmem:$0x10080] =	vst v63  }
0x10a: {  	v3 =	vld [tilespmem:$0x20];
	_ =	sdelay $0x4  }
0x10b: {  	v58 =	vshll.u32 v3, $0x3  }
0x10c: {  	v3 =	vand.u32 $0x7, v3;
	v4 =	vand.u32 $0xFFFFFFC0, v58  }
0x10d: {  	v3 =	vor.u32 v3, v4  }
0x10e: {  	v4 =	vperm.xlane v3, v0;
	_ =	sdelay $0x1  }
0x10f: {  	v4 =	vadd.s32 v1, v4;
	_ =	sdelay $0x4  }
0x110: {  	[hbm4b:s2+s3] =	stream.indirect_vreg.scatter [tilespmem:s14], [sflag:$0x1], $0x80, v4, vm0, $0xb8;
	[tilespmem:$0x10080] =	vst v63  }
0x111: {  	v3 =	vperm.xlane v3, v2  }
0x112: {  	[hbm4b:s4+s3] =	stream.indirect_vreg.scatter [tilespmem:s15], [sflag:$0x1], $0x80, v4, vm0, $0xb8;
	[tilespmem:$0x10080] =	vst v63  }
0x113: {  	v3 =	vadd.s32 v1, v3  }
0x114: {  	[hbm4b:s5+s3] =	stream.indirect_vreg.scatter [tilespmem:s10], [sflag:$0x1], $0x80, v4, vm0, $0xb8;
	[tilespmem:$0x10080] =	vst v63  }
0x115: {  	_ = 	snop  }
0x116: {  	[hbm4b:s6+s3] =	stream.indirect_vreg.scatter [tilespmem:s11], [sflag:$0x1], $0x80, v4, vm0, $0xb8;
	[tilespmem:$0x10080] =	vst v63  }
0x117: {  	_ = 	snop  }
0x118: {  	[hbm4b:s2+s3] =	stream.indirect_vreg.scatter [tilespmem:s12], [sflag:$0x1], $0x80, v3, vm0, $0xb8;
	[tilespmem:$0x10080] =	vst v63  }
0x119: {  	s24 =	simm.s32 $0xA880  }
0x11a: {  	[hbm4b:s4+s3] =	stream.indirect_vreg.scatter [tilespmem:s24], [sflag:$0x1], $0x80, v3, vm0, $0xb8;
	[tilespmem:$0x10080] =	vst v63  }
0x11b: {  	s28 =	simm.s32 $0xB080  }
0x11c: {  	[hbm4b:s5+s3] =	stream.indirect_vreg.scatter [tilespmem:s28], [sflag:$0x1], $0x80, v3, vm0, $0xb8;
	[tilespmem:$0x10080] =	vst v63  }
0x11d: {  	s24 =	simm.s32 $0xB880  }
0x11e: {  	[hbm4b:s6+s3] =	stream.indirect_vreg.scatter [tilespmem:s24], [sflag:$0x1], $0x80, v3, vm0, $0xb8;
	[tilespmem:$0x10080] =	vst v63  }
0x11f: {  	v3 =	vld [tilespmem:$0x30];
	_ =	sdelay $0x4  }
0x120: {  	v59 =	vshll.u32 v3, $0x3  }
0x121: {  	v3 =	vand.u32 $0x7, v3;
	v4 =	vand.u32 $0xFFFFFFC0, v59  }
0x122: {  	v3 =	vor.u32 v3, v4  }
0x123: {  	v4 =	vperm.xlane v3, v0;
	_ =	sdelay $0x1  }
0x124: {  	v4 =	vadd.s32 v1, v4;
	_ =	sdelay $0x3  }
0x125: {  	s25 =	simm.s32 $0xC080  }
0x126: {  	[hbm4b:s2+s3] =	stream.indirect_vreg.scatter [tilespmem:s25], [sflag:$0x1], $0x80, v4, vm0, $0xb8;
	[tilespmem:$0x10080] =	vst v63  }
0x127: {  	s28 =	simm.s32 $0xC880;
	v3 =	vperm.xlane v3, v2  }
0x128: {  	[hbm4b:s4+s3] =	stream.indirect_vreg.scatter [tilespmem:s28], [sflag:$0x1], $0x80, v4, vm0, $0xb8;
	[tilespmem:$0x10080] =	vst v63  }
0x129: {  	s20 =	simm.s32 $0xD080;
	v3 =	vadd.s32 v1, v3  }
0x12a: {  	[hbm4b:s5+s3] =	stream.indirect_vreg.scatter [tilespmem:s20], [sflag:$0x1], $0x80, v4, vm0, $0xb8;
	[tilespmem:$0x10080] =	vst v63  }
0x12b: {  	s22 =	simm.s32 $0xD880  }
0x12c: {  	[hbm4b:s6+s3] =	stream.indirect_vreg.scatter [tilespmem:s22], [sflag:$0x1], $0x80, v4, vm0, $0xb8;
	[tilespmem:$0x10080] =	vst v63  }
0x12d: {  	s29 =	simm.s32 $0xE080  }
0x12e: {  	[hbm4b:s2+s3] =	stream.indirect_vreg.scatter [tilespmem:s29], [sflag:$0x1], $0x80, v3, vm0, $0xb8;
	[tilespmem:$0x10080] =	vst v63  }
0x12f: {  	s26 =	simm.s32 $0xE880  }
0x130: {  	[hbm4b:s4+s3] =	stream.indirect_vreg.scatter [tilespmem:s26], [sflag:$0x1], $0x80, v3, vm0, $0xb8;
	[tilespmem:$0x10080] =	vst v63  }
0x131: {  	s30 =	simm.s32 $0xF080  }
0x132: {  	[hbm4b:s5+s3] =	stream.indirect_vreg.scatter [tilespmem:s30], [sflag:$0x1], $0x80, v3, vm0, $0xb8;
	[tilespmem:$0x10080] =	vst v63  }
0x133: {  	s29 =	simm.s32 $0xF880  }
0x134: {  	[hbm4b:s6+s3] =	stream.indirect_vreg.scatter [tilespmem:s29], [sflag:$0x1], $0x80, v3, vm0, $0xb8;
	[tilespmem:$0x10080] =	vst v63  }
0x135: {  	_ =	swait.ge [sflag:s18], $0x10000  }
0x136: {  	[sflag:s18] =	ssyncset.done $0x0  }
0x137: {  	s30 =	rddreg [dreg:$0xa];
	[sflag:s18] =	ssyncadd.s32 $0xFFFF0000  }
0x138: {  	[tilespmem:s3], [sflag:$0x2] =	stream.linear.gather [hbm4b:s30+s3], $0x40, $0x38;
	[tilespmem:$0x10080] =	vst v63  }
0x139: {  	_ =	swait.ge [sflag:s8], $0x40  }
0x13a: {  	[sflag:s8] =	ssyncset.done $0x0  }
0x13b: {  	s29 =	rddreg [dreg:$0xb];
	[sflag:s8] =	ssyncadd.s32 $0xFFFFFFC0  }
0x13c: {  	[tilespmem:s23], [sflag:$0x2] =	stream.linear.gather [hbm4b:s29+s3], $0x10000, $0x38;
	[tilespmem:$0x10080] =	vst v63  }
0x13d: {  	_ =	swait.ge [sflag:s8], $0x10000  }
0x13e: {  	[sflag:s8] =	ssyncset.done $0x0  }
0x13f: {  	[sflag:s8] =	ssyncadd.s32 $0xFFFF0000  }
0x140: {  	v3 =	vld [tilespmem:$0x0];
	_ =	sdelay $0x4  }
0x141: {  	v60 =	vshll.u32 v3, $0x3  }
0x142: {  	v3 =	vand.u32 $0x7, v3;
	v4 =	vand.u32 $0xFFFFFFC0, v60  }
0x143: {  	v3 =	vor.u32 v3, v4  }
0x144: {  	v4 =	vperm.xlane v3, v0;
	_ =	sdelay $0x1  }
0x145: {  	v4 =	vadd.s32 v1, v4;
	_ =	sdelay $0x4  }
0x146: {  	[hbm4b:s2+s3] =	stream.indirect_vreg.scatter [tilespmem:s23], [sflag:$0x1], $0x80, v4, vm0, $0xb8;
	[tilespmem:$0x10080] =	vst v63  }
0x147: {  	s30 =	simm.s32 $0x880;
	v3 =	vperm.xlane v3, v2  }
0x148: {  	[hbm4b:s4+s3] =	stream.indirect_vreg.scatter [tilespmem:s30], [sflag:$0x1], $0x80, v4, vm0, $0xb8;
	[tilespmem:$0x10080] =	vst v63  }
0x149: {  	s21 =	simm.s32 $0x1080;
	v3 =	vadd.s32 v1, v3  }
0x14a: {  	[hbm4b:s5+s3] =	stream.indirect_vreg.scatter [tilespmem:s21], [sflag:$0x1], $0x80, v4, vm0, $0xb8;
	[tilespmem:$0x10080] =	vst v63  }
0x14b: {  	s21 =	simm.s32 $0x1880  }
0x14c: {  	[hbm4b:s6+s3] =	stream.indirect_vreg.scatter [tilespmem:s21], [sflag:$0x1], $0x80, v4, vm0, $0xb8;
	[tilespmem:$0x10080] =	vst v63  }
0x14d: {  	s29 =	simm.s32 $0x2080  }
0x14e: {  	[hbm4b:s2+s3] =	stream.indirect_vreg.scatter [tilespmem:s29], [sflag:$0x1], $0x80, v3, vm0, $0xb8;
	[tilespmem:$0x10080] =	vst v63  }
0x14f: {  	s30 =	simm.s32 $0x2880  }
0x150: {  	[hbm4b:s4+s3] =	stream.indirect_vreg.scatter [tilespmem:s30], [sflag:$0x1], $0x80, v3, vm0, $0xb8;
	[tilespmem:$0x10080] =	vst v63  }
0x151: {  	s21 =	simm.s32 $0x3080  }
0x152: {  	[hbm4b:s5+s3] =	stream.indirect_vreg.scatter [tilespmem:s21], [sflag:$0x1], $0x80, v3, vm0, $0xb8;
	[tilespmem:$0x10080] =	vst v63  }
0x153: {  	s29 =	simm.s32 $0x3880  }
0x154: {  	[hbm4b:s6+s3] =	stream.indirect_vreg.scatter [tilespmem:s29], [sflag:$0x1], $0x80, v3, vm0, $0xb8;
	[tilespmem:$0x10080] =	vst v63  }
0x155: {  	v3 =	vld [tilespmem:$0x10];
	_ =	sdelay $0x4  }
0x156: {  	v61 =	vshll.u32 v3, $0x3  }
0x157: {  	v3 =	vand.u32 $0x7, v3;
	v4 =	vand.u32 $0xFFFFFFC0, v61  }
0x158: {  	v3 =	vor.u32 v3, v4  }
0x159: {  	v4 =	vperm.xlane v3, v0;
	_ =	sdelay $0x1  }
0x15a: {  	v4 =	vadd.s32 v1, v4;
	_ =	sdelay $0x3  }
0x15b: {  	s16 =	simm.s32 $0x4080  }
0x15c: {  	[hbm4b:s2+s3] =	stream.indirect_vreg.scatter [tilespmem:s16], [sflag:$0x1], $0x80, v4, vm0, $0xb8;
	[tilespmem:$0x10080] =	vst v63  }
0x15d: {  	s30 =	simm.s32 $0x4880;
	v3 =	vperm.xlane v3, v2  }
0x15e: {  	[hbm4b:s4+s3] =	stream.indirect_vreg.scatter [tilespmem:s30], [sflag:$0x1], $0x80, v4, vm0, $0xb8;
	[tilespmem:$0x10080] =	vst v63  }
0x15f: {  	s19 =	simm.s32 $0x5080;
	v3 =	vadd.s32 v1, v3  }
0x160: {  	[hbm4b:s5+s3] =	stream.indirect_vreg.scatter [tilespmem:s19], [sflag:$0x1], $0x80, v4, vm0, $0xb8;
	[tilespmem:$0x10080] =	vst v63  }
0x161: {  	s17 =	simm.s32 $0x5880  }
0x162: {  	[hbm4b:s6+s3] =	stream.indirect_vreg.scatter [tilespmem:s17], [sflag:$0x1], $0x80, v4, vm0, $0xb8;
	[tilespmem:$0x10080] =	vst v63  }
0x163: {  	s0 =	simm.s32 $0x6080  }
0x164: {  	[hbm4b:s2+s3] =	stream.indirect_vreg.scatter [tilespmem:s0], [sflag:$0x1], $0x80, v3, vm0, $0xb8;
	[tilespmem:$0x10080] =	vst v63  }
0x165: {  	s1 =	simm.s32 $0x6880  }
0x166: {  	[hbm4b:s4+s3] =	stream.indirect_vreg.scatter [tilespmem:s1], [sflag:$0x1], $0x80, v3, vm0, $0xb8;
	[tilespmem:$0x10080] =	vst v63  }
0x167: {  	s9 =	simm.s32 $0x7080  }
0x168: {  	[hbm4b:s5+s3] =	stream.indirect_vreg.scatter [tilespmem:s9], [sflag:$0x1], $0x80, v3, vm0, $0xb8;
	[tilespmem:$0x10080] =	vst v63  }
0x169: {  	s13 =	simm.s32 $0x7880  }
0x16a: {  	[hbm4b:s6+s3] =	stream.indirect_vreg.scatter [tilespmem:s13], [sflag:$0x1], $0x80, v3, vm0, $0xb8;
	[tilespmem:$0x10080] =	vst v63  }
0x16b: {  	v3 =	vld [tilespmem:$0x20];
	_ =	sdelay $0x4  }
0x16c: {  	v62 =	vshll.u32 v3, $0x3  }
0x16d: {  	v3 =	vand.u32 $0x7, v3;
	v4 =	vand.u32 $0xFFFFFFC0, v62  }
0x16e: {  	v3 =	vor.u32 v3, v4  }
0x16f: {  	v4 =	vperm.xlane v3, v0;
	_ =	sdelay $0x1  }
0x170: {  	v4 =	vadd.s32 v1, v4;
	_ =	sdelay $0x3  }
0x171: {  	s14 =	simm.s32 $0x8080  }
0x172: {  	[hbm4b:s2+s3] =	stream.indirect_vreg.scatter [tilespmem:s14], [sflag:$0x1], $0x80, v4, vm0, $0xb8;
	[tilespmem:$0x10080] =	vst v63  }
0x173: {  	s15 =	simm.s32 $0x8880;
	v3 =	vperm.xlane v3, v2  }
0x174: {  	[hbm4b:s4+s3] =	stream.indirect_vreg.scatter [tilespmem:s15], [sflag:$0x1], $0x80, v4, vm0, $0xb8;
	[tilespmem:$0x10080] =	vst v63  }
0x175: {  	s10 =	simm.s32 $0x9080;
	v3 =	vadd.s32 v1, v3  }
0x176: {  	[hbm4b:s5+s3] =	stream.indirect_vreg.scatter [tilespmem:s10], [sflag:$0x1], $0x80, v4, vm0, $0xb8;
	[tilespmem:$0x10080] =	vst v63  }
0x177: {  	s11 =	simm.s32 $0x9880  }
0x178: {  	[hbm4b:s6+s3] =	stream.indirect_vreg.scatter [tilespmem:s11], [sflag:$0x1], $0x80, v4, vm0, $0xb8;
	[tilespmem:$0x10080] =	vst v63  }
0x179: {  	s12 =	simm.s32 $0xA080  }
0x17a: {  	[hbm4b:s2+s3] =	stream.indirect_vreg.scatter [tilespmem:s12], [sflag:$0x1], $0x80, v3, vm0, $0xb8;
	[tilespmem:$0x10080] =	vst v63  }
0x17b: {  	s31 =	simm.s32 $0xA880  }
0x17c: {  	[hbm4b:s4+s3] =	stream.indirect_vreg.scatter [tilespmem:s31], [sflag:$0x1], $0x80, v3, vm0, $0xb8;
	[tilespmem:$0x10080] =	vst v63  }
0x17d: {  	s21 =	simm.s32 $0xB080  }
0x17e: {  	[hbm4b:s5+s3] =	stream.indirect_vreg.scatter [tilespmem:s21], [sflag:$0x1], $0x80, v3, vm0, $0xb8;
	[tilespmem:$0x10080] =	vst v63  }
0x17f: {  	s29 =	simm.s32 $0xB880  }
0x180: {  	[hbm4b:s6+s3] =	stream.indirect_vreg.scatter [tilespmem:s29], [sflag:$0x1], $0x80, v3, vm0, $0xb8;
	[tilespmem:$0x10080] =	vst v63  }
0x181: {  	v3 =	vld [tilespmem:$0x30];
	_ =	sdelay $0x4  }
0x182: {  	v63 =	vshll.u32 v3, $0x3  }
0x183: {  	v3 =	vand.u32 $0x7, v3;
	v4 =	vand.u32 $0xFFFFFFC0, v63  }
0x184: {  	v3 =	vor.u32 v3, v4  }
0x185: {  	v4 =	vperm.xlane v3, v0;
	_ =	sdelay $0x1  }
0x186: {  	v4 =	vadd.s32 v1, v4;
	_ =	sdelay $0x3  }
0x187: {  	s30 =	simm.s32 $0xC080  }
0x188: {  	[hbm4b:s2+s3] =	stream.indirect_vreg.scatter [tilespmem:s30], [sflag:$0x1], $0x80, v4, vm0, $0xb8;
	[tilespmem:$0x10080] =	vst v63  }
0x189: {  	s31 =	simm.s32 $0xC880;
	v3 =	vperm.xlane v3, v2  }
0x18a: {  	[hbm4b:s4+s3] =	stream.indirect_vreg.scatter [tilespmem:s31], [sflag:$0x1], $0x80, v4, vm0, $0xb8;
	[tilespmem:$0x10080] =	vst v63  }
0x18b: {  	s28 =	simm.s32 $0xD080;
	v3 =	vadd.s32 v1, v3  }
0x18c: {  	[hbm4b:s5+s3] =	stream.indirect_vreg.scatter [tilespmem:s28], [sflag:$0x1], $0x80, v4, vm0, $0xb8;
	[tilespmem:$0x10080] =	vst v63  }
0x18d: {  	s20 =	simm.s32 $0xD880  }
0x18e: {  	[hbm4b:s6+s3] =	stream.indirect_vreg.scatter [tilespmem:s20], [sflag:$0x1], $0x80, v4, vm0, $0xb8;
	[tilespmem:$0x10080] =	vst v63  }
0x18f: {  	s24 =	simm.s32 $0xE080  }
0x190: {  	[hbm4b:s2+s3] =	stream.indirect_vreg.scatter [tilespmem:s24], [sflag:$0x1], $0x80, v3, vm0, $0xb8;
	[tilespmem:$0x10080] =	vst v63  }
0x191: {  	s22 =	simm.s32 $0xE880  }
0x192: {  	[hbm4b:s4+s3] =	stream.indirect_vreg.scatter [tilespmem:s22], [sflag:$0x1], $0x80, v3, vm0, $0xb8;
	[tilespmem:$0x10080] =	vst v63  }
0x193: {  	p0 =	sne.s32 s7, $0x1;
	s25 =	simm.s32 $0xF080  }
0x194: {  	[hbm4b:s5+s3] =	stream.indirect_vreg.scatter [tilespmem:s25], [sflag:$0x1], $0x80, v3, vm0, $0xb8;
	[tilespmem:$0x10080] =	vst v63  }
.Ltmp0:
0x195: {  	s26 =	simm.s32 $0xF880;
	(pc) =	sbr.rel @p0 .LBB2_1-.Ltmp0, $4  }
0x196: {  	[hbm4b:s6+s3] =	stream.indirect_vreg.scatter [tilespmem:s26], [sflag:$0x1], $0x80, v3, vm0, $0xb8;
	[tilespmem:$0x10080] =	vst v63  }
0x197: {  	_ =	swait.ge [sflag:s18], $0x10000  }
0x198: {  	[sflag:s18] =	ssyncset.done $0x0  }
0x199: {  	s7 =	sadd.s32 $0xFFFFFFFF, s7;
	[sflag:s18] =	ssyncadd.s32 $0xFFFF0000  }
0x19a: {  	_ =	sfence.sel $0x180000  }
0x19b: {  	[bflag:$0x0] =	sbarrier.arrive $0xFFFF  }
0x19c: {  	_ =	strace $0x90000047  }
0x19d: {  	s0 =	stileid.u32;
	[bflag:$0x2] =	sbarrier.arrive $0xFFFF  }
0x19e: {  	p0 =	sne.s32 s0, $0x0;
	s0 =	rddreg [dreg:$0x3]  }
0x19f: {  	s0 =	sadd.s32 @!p0 $0x100000, s0  }
0x1a0: {  	[sflag:s0] =	ssyncadd.tile.s32 @!p0 $0x1;
	_ =	shalt  }
.Lfunc_end2:
_tile_overlayer_lowered:
.L_overlay_start_2:
0x1a1: {  	(tag) =	ssettag $0x2  }
0x1a2: {  	s0 =	rddreg [dreg:$0x0];
	s2 =	stileid.u32  }
0x1a3: {  	s1 =	rddreg [dreg:$0x1];
	p0 =	sne.s32 s2, $0x0  }
0x1a4: {  	s3 =	rddreg [dreg:$0x2];
	[bflag:$0x3] =	sbarrier.arrive $0xFFFF;
	s2 =	simm.s32 @!p0 $0x1C02  }
0x1a5: {  	[timem:s3], [sflag:s2] =	dma.local @!p0 [hbm:s0], s1  }
0x1a6: {  	s0 =	simm.s32 @!p0 $0x2  }
0x1a7: {  	_ =	swait.ge @!p0 [sflag:s0], s1  }
0x1a8: {  	s1 =	ssub.s32 @!p0 $0x0, s1;
	[sflag:s0] =	ssyncset.done @!p0 $0x0  }
0x1a9: {  	[sflag:s0] =	ssyncadd.s32 @!p0 s1  }
0x1aa: {  	[bflag:$0x3] =	sbarrier.arrive $0xFFFF  }
0x1ab: {  	_ =	shalt  }

</sc_bundles>
